<compile_context>
chip_gen: v7x
topology: tpu7x:2x2x1
jax: 0.10.2.dev20260603
libtpu: 0.0.44.dev20260713+nightly
codegen_flags: <defaults>
</compile_context>

<pallas_src>
import functools

import jax
import jax.numpy as jnp
from jax import lax
from jax.experimental import pallas as pl
from jax.experimental.pallas import tpu as pltpu
from jax.experimental.pallas import tpu_sc as plsc

B, N, DIM = 8, 1024, 32
K = 8192
M = B * N
TN = 1024
NUM_TILES = M // TN
LOSS_SCALE = 1.25 / (M * DIM)
CK = 128
NCK = K // CK


def _ic_body(frozen_ref, w_ref, ic_ref):
    ic_ref[...] = jnp.dot(frozen_ref[...].astype(jnp.bfloat16),
                          w_ref[...].astype(jnp.bfloat16),
                          preferred_element_type=jnp.float32)


_ic_call = pl.pallas_call(
    _ic_body,
    out_shape=jax.ShapeDtypeStruct((K, DIM), jnp.float32),
)


def _argmin_body(xb_ref, a2_ref, b2_ref, icbt_ref, idx_ref, loss_ref):
    pi = pl.program_id(0)
    s = jnp.dot(xb_ref[...], icbt_ref[...],
                preferred_element_type=jnp.float32)
    a2 = a2_ref[...]
    runmin = jnp.full((TN, CK), jnp.inf, jnp.float32)
    runidx = jnp.zeros((TN, CK), jnp.int32)
    for j in range(NCK):
        d2c = (a2 + s[:, j * CK:(j + 1) * CK]) + b2_ref[:, j * CK:(j + 1) * CK]
        cmp = d2c < runmin
        runmin = jnp.where(cmp, d2c, runmin)
        runidx = jnp.where(cmp, j, runidx)
    minv = jnp.min(runmin, axis=1, keepdims=True)
    cand = runidx * CK + lax.broadcasted_iota(jnp.int32, (TN, CK), 1)
    idx = jnp.min(jnp.where(runmin == minv, cand, K), axis=1)
    idx_ref[...] = idx
    part = jnp.sum(jnp.maximum(minv, 0.0)).reshape(1, 1)

    @pl.when(pi == 0)
    def _():
        loss_ref[...] = jnp.zeros((1, 1), jnp.float32)

    loss_ref[...] += part


_argmin_call = pl.pallas_call(
    _argmin_body,
    grid=(NUM_TILES,),
    in_specs=[
        pl.BlockSpec((TN, DIM), lambda i: (i, 0)),
        pl.BlockSpec((TN, 1), lambda i: (i, 0)),
        pl.BlockSpec((1, K), lambda i: (0, 0)),
        pl.BlockSpec((DIM, K), lambda i: (0, 0)),
    ],
    out_specs=[
        pl.BlockSpec((TN,), lambda i: (i,)),
        pl.BlockSpec((1, 1), lambda i: (0, 0)),
    ],
    out_shape=[
        jax.ShapeDtypeStruct((M,), jnp.int32),
        jax.ShapeDtypeStruct((1, 1), jnp.float32),
    ],
)


def _sc_gather(table, idx):
    info = plsc.get_sparse_core_info()
    nw = info.num_cores * info.num_subcores
    bpw = M // nw
    rows_per_batch = N // bpw
    mesh = plsc.VectorSubcoreMesh(core_axis_name="c", subcore_axis_name="s")

    @functools.partial(
        pl.kernel, mesh=mesh,
        compiler_params=pltpu.CompilerParams(use_tc_tiling_on_sc=False),
        out_type=jax.ShapeDtypeStruct((B, N, DIM), jnp.float32),
        scratch_types=[
            pltpu.VMEM((bpw,), jnp.int32),
            pltpu.VMEM((bpw, DIM), jnp.float32),
            pltpu.SemaphoreType.DMA,
        ],
    )
    def k(table_hbm, idx_hbm, out_hbm, idx_v, rows_v, sem):
        wid = lax.axis_index("s") * info.num_cores + lax.axis_index("c")
        base = wid * bpw
        pltpu.sync_copy(idx_hbm.at[pl.ds(base, bpw)], idx_v)
        pltpu.async_copy(table_hbm.at[idx_v], rows_v, sem).wait()
        b = wid // rows_per_batch
        off = (wid % rows_per_batch) * bpw
        pltpu.sync_copy(rows_v, out_hbm.at[b, pl.ds(off, bpw)])

    return k(table, idx)


def kernel(x, frozen_codebook, W):
    xf = x.reshape(M, DIM)
    ic = _ic_call(frozen_codebook, W)
    a2 = jnp.sum(xf * xf, axis=-1, keepdims=True)
    b2 = jnp.sum(ic * ic, axis=-1)[None, :]
    xb = xf.astype(jnp.bfloat16)
    icbt = (ic * -2.0).astype(jnp.bfloat16).T
    idx_flat, loss_sum = _argmin_call(xb, a2, b2, icbt)
    quantized = _sc_gather(ic, idx_flat)
    indices = idx_flat.reshape(B, N)
    loss = loss_sum[0, 0] * LOSS_SCALE
    return quantized, indices, loss

# --- scband reference (transcript-rebuilt; emitter-appended) ---
"""Pipeline reference for scband-sim-vq-31756988187167 (READ-ONLY COPY).

The authoritative reference and input builder live on the scoring server;
editing this copy changes nothing except your own understanding.
"""

import jax, jax.numpy as jnp
import numpy as np

B, N, DIM = 8, 1024, 32
CODEBOOK_SIZE = 8192
COMMIT_WEIGHT = 1.0
INPUT_COMMIT_WEIGHT = 0.25
EPS = 1e-6


def setup_inputs(seed: int = 0):
    key = jax.random.key(seed)
    k1, k2, k3 = jax.random.split(key, 3)
    x = jax.random.normal(k1, (B, N, DIM), dtype=jnp.float32)
    # frozen codebook buffer: randn(K, d) * d**-0.5 (never trained)
    frozen_codebook = jax.random.normal(k2, (CODEBOOK_SIZE, DIM), dtype=jnp.float32) * (DIM ** -0.5)
    # nn.Linear(frozen_dim, dim, bias=False) default init: U(-1/sqrt(in), 1/sqrt(in))
    bound = 1.0 / np.sqrt(DIM)
    W = jax.random.uniform(k3, (DIM, DIM), dtype=jnp.float32, minval=-bound, maxval=bound)
    return {"x": x, "frozen_codebook": frozen_codebook, "W": W}


def _cdist(a, b):
    # a: [B, N, d], b: [K, d] -> [B, N, K] euclidean distance
    a2 = jnp.sum(a * a, axis=-1, keepdims=True)
    b2 = jnp.sum(b * b, axis=-1)
    d2 = a2 - 2.0 * jnp.einsum('bnd,kd->bnk', a, b) + b2[None, None, :]
    return jnp.sqrt(jnp.clip(d2, 0.0, None))


def _rotate_to(src, tgt):
    # rotation trick (https://arxiv.org/abs/2410.06424), section 4.2
    shp = src.shape
    d = shp[-1]
    s = src.reshape(-1, d)
    t = tgt.reshape(-1, d)
    norm_s = jnp.linalg.norm(s, axis=-1, keepdims=True)
    norm_t = jnp.linalg.norm(t, axis=-1, keepdims=True)
    u = s / jnp.clip(norm_s, EPS, None)
    q = t / jnp.clip(norm_t, EPS, None)
    w = u + q
    w = w / jnp.clip(jnp.linalg.norm(w, axis=-1, keepdims=True), EPS, None)
    w = jax.lax.stop_gradient(w)
    u_d = jax.lax.stop_gradient(u)
    e = s[:, None, :]  # [M, 1, d]
    rot = (e
           - 2.0 * jnp.matmul(jnp.matmul(e, w[:, :, None]), w[:, None, :])
           + 2.0 * jnp.matmul(jnp.matmul(e, u_d[:, :, None]), q[:, None, :]))
    rot = rot[:, 0, :]
    scale = jax.lax.stop_gradient(norm_t / jnp.clip(norm_s, EPS, None))
    return (rot * scale).reshape(shp)


def reference(x, frozen_codebook, W):
    # implicit codebook = code_transform(frozen_codebook)
    implicit_codebook = frozen_codebook @ W  # [K, dim]
    # nearest-code search is done under no_grad in torch
    dist = jax.lax.stop_gradient(_cdist(x, implicit_codebook))  # [B, N, K]
    indices = jnp.argmin(dist, axis=-1)  # [B, N]
    quantized = jnp.take(implicit_codebook, indices, axis=0)  # [B, N, dim]
    commit_loss = (jnp.mean((jax.lax.stop_gradient(x) - quantized) ** 2)
                   + jnp.mean((x - jax.lax.stop_gradient(quantized)) ** 2) * INPUT_COMMIT_WEIGHT)
    # rotation trick straight-through
    quantized = _rotate_to(x, quantized)
    return quantized, indices, commit_loss * COMMIT_WEIGHT

if __name__ == "__main__":
    import jax
    _d = setup_inputs()
    print(jax.jit(kernel)(*tuple(_d.values())))

</pallas_src>

<mosaic_0001>
#map = affine_map<(d0, d1) -> (0, 0)>
#map1 = affine_map<(d0, d1) -> (0)>
#map2 = affine_map<(d0, d1) -> (0, 0, 0)>
module attributes {stable_mosaic.version = 14 : i64} {
  func.func @k(%arg0: i32, %arg1: i32, %arg2: memref<8192x32xf32, #tpu.memory_space<hbm>>, %arg3: memref<8192xi32, #tpu.memory_space<hbm>>, %arg4: memref<8x1024x32xf32, #tpu.memory_space<hbm>>, %arg5: memref<256xi32, #tpu.memory_space<vmem>>, %arg6: memref<256x32xf32, #tpu.memory_space<vmem>>, %arg7: memref<!tpu.dma_semaphore, #tpu.memory_space<semaphore_mem>>) attributes {dimension_semantics = [#tpu.dimension_semantics<core_parallel>, #tpu.dimension_semantics<subcore_parallel>], iteration_bounds = array<i64: 2, 16>, scalar_prefetch = 0 : i64, scratch_operands = 3 : i64, tpu.core_type = #tpu.core_type<sc_vector_subcore>, window_params = [{transform_indices = #map}, {transform_indices = #map1}, {transform_indices = #map2}]} {
    %mul3A = arith.constant 2 : i32
    %mul3A_0 = arith.muli %arg1, %mul3A : i32
    %add3A = arith.addi %mul3A_0, %arg0 : i32
    %mul3A_1 = arith.constant 256 : i32
    %mul3A_2 = arith.muli %add3A, %mul3A_1 : i32
    "tpu.region"() ({
      %run_scoped3A = tpu.sem_alloc : memref<!tpu.dma_semaphore, #tpu.memory_space<semaphore_mem>>
      %dma_start3A_39 = tpu.memref_slice %arg3[%mul3A_2] : memref<8192xi32, #tpu.memory_space<hbm>> -> memref<256xi32, #tpu.memory_space<hbm>>
      %dma_start3A_40 = tpu.memref_slice %arg3[%mul3A_2] : memref<8192xi32, #tpu.memory_space<hbm>> -> memref<256xi32, #tpu.memory_space<hbm>>
      tpu.enqueue_dma source(%dma_start3A_40 : memref<256xi32, #tpu.memory_space<hbm>>) target(%arg5 : memref<256xi32, #tpu.memory_space<vmem>>) target_semaphore(%run_scoped3A : memref<!tpu.dma_semaphore, #tpu.memory_space<semaphore_mem>>)
      %dma_wait3A_41 = tpu.memref_slice %arg3[%mul3A_2] : memref<8192xi32, #tpu.memory_space<hbm>> -> memref<256xi32, #tpu.memory_space<hbm>>
      %dma_wait3A_42 = tpu.memref_slice %arg3[%mul3A_2] : memref<8192xi32, #tpu.memory_space<hbm>> -> memref<256xi32, #tpu.memory_space<hbm>>
      tpu.wait_dma2 semaphore(%run_scoped3A : memref<!tpu.dma_semaphore, #tpu.memory_space<semaphore_mem>>) src(%dma_wait3A_42 : memref<256xi32, #tpu.memory_space<hbm>>) dst(%arg5 : memref<256xi32, #tpu.memory_space<vmem>>)
      tpu.yield
    }) : () -> ()
    %dma_start3A = arith.constant 0 : i32
    %dma_start3A_3 = arith.constant 0 : i32
    %dma_start3A_4 = tpu.memref_slice %arg2[%dma_start3A, %dma_start3A_3] : memref<8192x32xf32, #tpu.memory_space<hbm>> -> memref<8192x32xf32, #tpu.memory_space<hbm>>
    tpu.enqueue_indirect_dma source(%dma_start3A_4 : memref<8192x32xf32, #tpu.memory_space<hbm>>) target(%arg6 : memref<256x32xf32, #tpu.memory_space<vmem>>) offsets(%arg5 : memref<256xi32, #tpu.memory_space<vmem>>) semaphore(%arg7 : memref<!tpu.dma_semaphore, #tpu.memory_space<semaphore_mem>>)
    %dma_wait3A = arith.constant 0 : i32
    %dma_wait3A_5 = arith.constant 0 : i32
    %dma_wait3A_6 = tpu.memref_slice %arg2[%dma_wait3A, %dma_wait3A_5] : memref<8192x32xf32, #tpu.memory_space<hbm>> -> memref<8192x32xf32, #tpu.memory_space<hbm>>
    tpu.wait_indirect_dma semaphore(%arg7 : memref<!tpu.dma_semaphore, #tpu.memory_space<semaphore_mem>>) src(%dma_wait3A_6 : memref<8192x32xf32, #tpu.memory_space<hbm>>) dst(%arg6 : memref<256x32xf32, #tpu.memory_space<vmem>>)
    %jit3A = arith.constant 4 : i32
    %div3A = arith.divsi %add3A, %jit3A : i32
    %sign3A = arith.constant 0 : i32
    %sign3A_7 = arith.cmpi sgt, %add3A, %sign3A : i32
    %sign3A_8 = arith.extui %sign3A_7 : i1 to i32
    %sign3A_9 = arith.constant 0 : i32
    %sign3A_10 = arith.cmpi slt, %add3A, %sign3A_9 : i32
    %sign3A_11 = arith.extui %sign3A_10 : i1 to i32
    %sign3A_12 = arith.subi %sign3A_8, %sign3A_11 : i32
    %sign3A_13 = arith.constant 0 : i32
    %sign3A_14 = arith.cmpi sgt, %jit3A, %sign3A_13 : i32
    %sign3A_15 = arith.extui %sign3A_14 : i1 to i32
    %sign3A_16 = arith.constant 0 : i32
    %sign3A_17 = arith.cmpi slt, %jit3A, %sign3A_16 : i32
    %sign3A_18 = arith.extui %sign3A_17 : i1 to i32
    %sign3A_19 = arith.subi %sign3A_15, %sign3A_18 : i32
    %ne3A = arith.cmpi ne, %sign3A_12, %sign3A_19 : i32
    %rem3A = arith.remsi %add3A, %jit3A : i32
    %ne3A_20 = arith.constant 0 : i32
    %ne3A_21 = arith.cmpi ne, %rem3A, %ne3A_20 : i32
    %and3A = arith.andi %ne3A, %ne3A_21 : i1
    %sub3A = arith.constant 1 : i32
    %sub3A_22 = arith.subi %div3A, %sub3A : i32
    %select_n3A = arith.select %and3A, %sub3A_22, %div3A : i32
    %jit3A_23 = arith.constant 4 : i32
    %eq3A = arith.constant 0 : i32
    %eq3A_24 = arith.cmpi eq, %jit3A_23, %eq3A : i32
    %jit3A_25 = arith.constant 1 : i32
    %select_n3A_26 = arith.select %eq3A_24, %jit3A_25, %jit3A_23 : i32
    %rem3A_27 = arith.remsi %add3A, %select_n3A_26 : i32
    %ne3A_28 = arith.constant 0 : i32
    %ne3A_29 = arith.cmpi ne, %rem3A_27, %ne3A_28 : i32
    %lt3A = arith.constant 0 : i32
    %lt3A_30 = arith.cmpi slt, %rem3A_27, %lt3A : i32
    %lt3A_31 = arith.constant 0 : i32
    %lt3A_32 = arith.cmpi slt, %select_n3A_26, %lt3A_31 : i32
    %ne3A_33 = arith.xori %lt3A_30, %lt3A_32 : i1
    %and3A_34 = arith.andi %ne3A_33, %ne3A_29 : i1
    %add3A_35 = arith.addi %rem3A_27, %select_n3A_26 : i32
    %select_n3A_36 = arith.select %and3A_34, %add3A_35, %rem3A_27 : i32
    %mul3A_37 = arith.constant 256 : i32
    %mul3A_38 = arith.muli %select_n3A_36, %mul3A_37 : i32
    "tpu.region"() ({
      %run_scoped3A = tpu.sem_alloc : memref<!tpu.dma_semaphore, #tpu.memory_space<semaphore_mem>>
      %dma_start3A_39 = arith.constant 0 : i32
      %dma_start3A_40 = tpu.memref_slice %arg4[%select_n3A, %mul3A_38, %dma_start3A_39] : memref<8x1024x32xf32, #tpu.memory_space<hbm>> -> memref<1x256x32xf32, #tpu.memory_space<hbm>>
      %dma_start3A_41 = tpu.memref_squeeze %dma_start3A_40 : memref<1x256x32xf32, #tpu.memory_space<hbm>> -> memref<256x32xf32, #tpu.memory_space<hbm>>
      %dma_start3A_42 = arith.constant 0 : i32
      %dma_start3A_43 = tpu.memref_slice %arg4[%select_n3A, %mul3A_38, %dma_start3A_42] : memref<8x1024x32xf32, #tpu.memory_space<hbm>> -> memref<1x256x32xf32, #tpu.memory_space<hbm>>
      %dma_start3A_44 = tpu.memref_squeeze %dma_start3A_43 : memref<1x256x32xf32, #tpu.memory_space<hbm>> -> memref<256x32xf32, #tpu.memory_space<hbm>>
      tpu.enqueue_dma source(%arg6 : memref<256x32xf32, #tpu.memory_space<vmem>>) target(%dma_start3A_44 : memref<256x32xf32, #tpu.memory_space<hbm>>) target_semaphore(%run_scoped3A : memref<!tpu.dma_semaphore, #tpu.memory_space<semaphore_mem>>)
      %dma_wait3A_45 = arith.constant 0 : i32
      %dma_wait3A_46 = tpu.memref_slice %arg4[%select_n3A, %mul3A_38, %dma_wait3A_45] : memref<8x1024x32xf32, #tpu.memory_space<hbm>> -> memref<1x256x32xf32, #tpu.memory_space<hbm>>
      %dma_wait3A_47 = tpu.memref_squeeze %dma_wait3A_46 : memref<1x256x32xf32, #tpu.memory_space<hbm>> -> memref<256x32xf32, #tpu.memory_space<hbm>>
      %dma_wait3A_48 = arith.constant 0 : i32
      %dma_wait3A_49 = tpu.memref_slice %arg4[%select_n3A, %mul3A_38, %dma_wait3A_48] : memref<8x1024x32xf32, #tpu.memory_space<hbm>> -> memref<1x256x32xf32, #tpu.memory_space<hbm>>
      %dma_wait3A_50 = tpu.memref_squeeze %dma_wait3A_49 : memref<1x256x32xf32, #tpu.memory_space<hbm>> -> memref<256x32xf32, #tpu.memory_space<hbm>>
      tpu.wait_dma2 semaphore(%run_scoped3A : memref<!tpu.dma_semaphore, #tpu.memory_space<semaphore_mem>>) src(%arg6 : memref<256x32xf32, #tpu.memory_space<vmem>>) dst(%dma_wait3A_50 : memref<256x32xf32, #tpu.memory_space<hbm>>)
      tpu.yield
    }) : () -> ()
    return
  }
}

module attributes {stable_mosaic.version = 14 : i64} {
  func.func @_ic_body(%arg0: memref<8192x32xf32, #tpu.memory_space<vmem>>, %arg1: memref<32x32xf32, #tpu.memory_space<vmem>>, %arg2: memref<8192x32xf32, #tpu.memory_space<vmem>>) attributes {dimension_semantics = [], scalar_prefetch = 0 : i64, scratch_operands = 0 : i64, tpu.core_type = #tpu.core_type<tc>} {
    %get3A = arith.constant 0 : index
    %get3A_0 = arith.constant 0 : index
    %get3A_1 = vector.load %arg0[%get3A, %get3A_0] : memref<8192x32xf32, #tpu.memory_space<vmem>>, vector<8192x32xf32>
    %convert_element_type3A = arith.truncf %get3A_1 : vector<8192x32xf32> to vector<8192x32xbf16>
    %get3A_2 = arith.constant 0 : index
    %get3A_3 = arith.constant 0 : index
    %get3A_4 = vector.load %arg1[%get3A_2, %get3A_3] : memref<32x32xf32, #tpu.memory_space<vmem>>, vector<32x32xf32>
    %convert_element_type3A_5 = arith.truncf %get3A_4 : vector<32x32xf32> to vector<32x32xbf16>
    %dot_general3A = arith.constant dense<0.000000e+00> : vector<8192x32xf32>
    %dot_general3A_6 = tpu.matmul %convert_element_type3A, %convert_element_type3A_5, %dot_general3A {dimension_numbers = #tpu.dot_dimension_numbers<[1], [0], [0], [1], [0, 0, 1, 1], [], []>, transpose_lhs_hint = false} : vector<8192x32xbf16>, vector<32x32xbf16>, vector<8192x32xf32> -> vector<8192x32xf32>
    %swap3A = arith.constant 0 : index
    %swap3A_7 = arith.constant 0 : index
    %swap3A_8 = vector.load %arg2[%swap3A, %swap3A_7] : memref<8192x32xf32, #tpu.memory_space<vmem>>, vector<8192x32xf32>
    tpu.vector_store %arg2[%swap3A, %swap3A_7], %dot_general3A_6 {strides = array<i32>} : memref<8192x32xf32, #tpu.memory_space<vmem>>, vector<8192x32xf32>,
    return
  }
}

module attributes {stable_mosaic.version = 14 : i64} {
  func.func @_argmin_body(%arg0: i32, %arg1: memref<1024x32xbf16, #tpu.memory_space<vmem>>, %arg2: memref<1024x1xf32, #tpu.memory_space<vmem>>, %arg3: memref<1x8192xf32, #tpu.memory_space<vmem>>, %arg4: memref<32x8192xbf16, #tpu.memory_space<vmem>>, %arg5: memref<1024xi32, #tpu.memory_space<vmem>>, %arg6: memref<1x1xf32, #tpu.memory_space<vmem>>) attributes {dimension_semantics = [#tpu.dimension_semantics<arbitrary>], iteration_bounds = array<i64: 8>, scalar_prefetch = 0 : i64, scratch_operands = 0 : i64, tpu.core_type = #tpu.core_type<tc>, window_params = [{transform_indices = @transform_0, window_bounds = array<i64: 1024, 32>}, {transform_indices = @transform_1, window_bounds = array<i64: 1024, 1>}, {pipeline_mode = #tpu.pipeline_mode<synchronous>, transform_indices = @transform_2, window_bounds = array<i64: 1, 8192>}, {pipeline_mode = #tpu.pipeline_mode<synchronous>, transform_indices = @transform_3, window_bounds = array<i64: 32, 8192>}, {transform_indices = @transform_4, window_bounds = array<i64: 1024>}, {pipeline_mode = #tpu.pipeline_mode<synchronous>, transform_indices = @transform_5, window_bounds = array<i64: 1, 1>}]} {
    %get3A = arith.constant 0 : index
    %get3A_0 = arith.constant 0 : index
    %get3A_1 = vector.load %arg1[%get3A, %get3A_0] : memref<1024x32xbf16, #tpu.memory_space<vmem>>, vector<1024x32xbf16>
    %get3A_2 = arith.constant 0 : index
    %get3A_3 = arith.constant 0 : index
    %get3A_4 = vector.load %arg4[%get3A_2, %get3A_3] : memref<32x8192xbf16, #tpu.memory_space<vmem>>, vector<32x8192xbf16>
    %dot_general3A = arith.constant dense<0.000000e+00> : vector<1024x8192xf32>
    %dot_general3A_5 = tpu.matmul %get3A_1, %get3A_4, %dot_general3A {dimension_numbers = #tpu.dot_dimension_numbers<[1], [0], [0], [1], [0, 0, 1, 1], [], []>, transpose_lhs_hint = false} : vector<1024x32xbf16>, vector<32x8192xbf16>, vector<1024x8192xf32> -> vector<1024x8192xf32>
    %get3A_6 = arith.constant 0 : index
    %get3A_7 = arith.constant 0 : index
    %get3A_8 = vector.load %arg2[%get3A_6, %get3A_7] : memref<1024x1xf32, #tpu.memory_space<vmem>>, vector<1024x1xf32>
    %broadcast_in_dim3A = arith.constant 0x7F800000 : f32
    %broadcast_in_dim3A_9 = vector.broadcast %broadcast_in_dim3A : f32 to vector<1024x128xf32>
    %broadcast_in_dim3A_10 = arith.constant 0 : i32
    %broadcast_in_dim3A_11 = vector.broadcast %broadcast_in_dim3A_10 : i32 to vector<1024x128xi32>
    %slice3A = vector.extract_strided_slice %dot_general3A_5 {offsets = [0, 0], sizes = [1024, 128], strides = [1, 1]} : vector<1024x8192xf32> to vector<1024x128xf32>
    %add3A = vector.broadcast %get3A_8 : vector<1024x1xf32> to vector<1024x128xf32>
    %add3A_12 = arith.addf %add3A, %slice3A : vector<1024x128xf32>
    %get3A_13 = arith.constant 0 : index
    %get3A_14 = arith.constant 0 : index
    %get3A_15 = vector.load %arg3[%get3A_13, %get3A_14] : memref<1x8192xf32, #tpu.memory_space<vmem>>, vector<1x128xf32>
    %add3A_16 = vector.broadcast %get3A_15 : vector<1x128xf32> to vector<1024x128xf32>
    %add3A_17 = arith.addf %add3A_12, %add3A_16 : vector<1024x128xf32>
    %lt3A = arith.cmpf olt, %add3A_17, %broadcast_in_dim3A_9 : vector<1024x128xf32>
    %select_n3A = arith.select %lt3A, %add3A_17, %broadcast_in_dim3A_9 : vector<1024x128xi1>, vector<1024x128xf32>
    %jit3A = arith.constant 0 : i32
    %broadcast_in_dim3A_18 = vector.broadcast %jit3A : i32 to vector<1024x128xi32>
    %select_n3A_19 = arith.select %lt3A, %broadcast_in_dim3A_18, %broadcast_in_dim3A_11 : vector<1024x128xi1>, vector<1024x128xi32>
    %slice3A_20 = vector.extract_strided_slice %dot_general3A_5 {offsets = [0, 128], sizes = [1024, 128], strides = [1, 1]} : vector<1024x8192xf32> to vector<1024x128xf32>
    %add3A_21 = vector.broadcast %get3A_8 : vector<1024x1xf32> to vector<1024x128xf32>
    %add3A_22 = arith.addf %add3A_21, %slice3A_20 : vector<1024x128xf32>
    %get3A_23 = arith.constant 0 : index
    %get3A_24 = arith.constant 128 : index
    %get3A_25 = vector.load %arg3[%get3A_23, %get3A_24] : memref<1x8192xf32, #tpu.memory_space<vmem>>, vector<1x128xf32>
    %add3A_26 = vector.broadcast %get3A_25 : vector<1x128xf32> to vector<1024x128xf32>
    %add3A_27 = arith.addf %add3A_22, %add3A_26 : vector<1024x128xf32>
    %lt3A_28 = arith.cmpf olt, %add3A_27, %select_n3A : vector<1024x128xf32>
    %select_n3A_29 = arith.select %lt3A_28, %add3A_27, %select_n3A : vector<1024x128xi1>, vector<1024x128xf32>
    %jit3A_30 = arith.constant 1 : i32
    %broadcast_in_dim3A_31 = vector.broadcast %jit3A_30 : i32 to vector<1024x128xi32>
    %select_n3A_32 = arith.select %lt3A_28, %broadcast_in_dim3A_31, %select_n3A_19 : vector<1024x128xi1>, vector<1024x128xi32>
    %slice3A_33 = vector.extract_strided_slice %dot_general3A_5 {offsets = [0, 256], sizes = [1024, 128], strides = [1, 1]} : vector<1024x8192xf32> to vector<1024x128xf32>
    %add3A_34 = vector.broadcast %get3A_8 : vector<1024x1xf32> to vector<1024x128xf32>
    %add3A_35 = arith.addf %add3A_34, %slice3A_33 : vector<1024x128xf32>
    %get3A_36 = arith.constant 0 : index
    %get3A_37 = arith.constant 256 : index
    %get3A_38 = vector.load %arg3[%get3A_36, %get3A_37] : memref<1x8192xf32, #tpu.memory_space<vmem>>, vector<1x128xf32>
    %add3A_39 = vector.broadcast %get3A_38 : vector<1x128xf32> to vector<1024x128xf32>
    %add3A_40 = arith.addf %add3A_35, %add3A_39 : vector<1024x128xf32>
    %lt3A_41 = arith.cmpf olt, %add3A_40, %select_n3A_29 : vector<1024x128xf32>
    %select_n3A_42 = arith.select %lt3A_41, %add3A_40, %select_n3A_29 : vector<1024x128xi1>, vector<1024x128xf32>
    %jit3A_43 = arith.constant 2 : i32
    %broadcast_in_dim3A_44 = vector.broadcast %jit3A_43 : i32 to vector<1024x128xi32>
    %select_n3A_45 = arith.select %lt3A_41, %broadcast_in_dim3A_44, %select_n3A_32 : vector<1024x128xi1>, vector<1024x128xi32>
    %slice3A_46 = vector.extract_strided_slice %dot_general3A_5 {offsets = [0, 384], sizes = [1024, 128], strides = [1, 1]} : vector<1024x8192xf32> to vector<1024x128xf32>
    %add3A_47 = vector.broadcast %get3A_8 : vector<1024x1xf32> to vector<1024x128xf32>
    %add3A_48 = arith.addf %add3A_47, %slice3A_46 : vector<1024x128xf32>
    %get3A_49 = arith.constant 0 : index
    %get3A_50 = arith.constant 384 : index
    %get3A_51 = vector.load %arg3[%get3A_49, %get3A_50] : memref<1x8192xf32, #tpu.memory_space<vmem>>, vector<1x128xf32>
    %add3A_52 = vector.broadcast %get3A_51 : vector<1x128xf32> to vector<1024x128xf32>
    %add3A_53 = arith.addf %add3A_48, %add3A_52 : vector<1024x128xf32>
    %lt3A_54 = arith.cmpf olt, %add3A_53, %select_n3A_42 : vector<1024x128xf32>
    %select_n3A_55 = arith.select %lt3A_54, %add3A_53, %select_n3A_42 : vector<1024x128xi1>, vector<1024x128xf32>
    %jit3A_56 = arith.constant 3 : i32
    %broadcast_in_dim3A_57 = vector.broadcast %jit3A_56 : i32 to vector<1024x128xi32>
    %select_n3A_58 = arith.select %lt3A_54, %broadcast_in_dim3A_57, %select_n3A_45 : vector<1024x128xi1>, vector<1024x128xi32>
    %slice3A_59 = vector.extract_strided_slice %dot_general3A_5 {offsets = [0, 512], sizes = [1024, 128], strides = [1, 1]} : vector<1024x8192xf32> to vector<1024x128xf32>
    %add3A_60 = vector.broadcast %get3A_8 : vector<1024x1xf32> to vector<1024x128xf32>
    %add3A_61 = arith.addf %add3A_60, %slice3A_59 : vector<1024x128xf32>
    %get3A_62 = arith.constant 0 : index
    %get3A_63 = arith.constant 512 : index
    %get3A_64 = vector.load %arg3[%get3A_62, %get3A_63] : memref<1x8192xf32, #tpu.memory_space<vmem>>, vector<1x128xf32>
    %add3A_65 = vector.broadcast %get3A_64 : vector<1x128xf32> to vector<1024x128xf32>
    %add3A_66 = arith.addf %add3A_61, %add3A_65 : vector<1024x128xf32>
    %lt3A_67 = arith.cmpf olt, %add3A_66, %select_n3A_55 : vector<1024x128xf32>
    %select_n3A_68 = arith.select %lt3A_67, %add3A_66, %select_n3A_55 : vector<1024x128xi1>, vector<1024x128xf32>
    %jit3A_69 = arith.constant 4 : i32
    %broadcast_in_dim3A_70 = vector.broadcast %jit3A_69 : i32 to vector<1024x128xi32>
    %select_n3A_71 = arith.select %lt3A_67, %broadcast_in_dim3A_70, %select_n3A_58 : vector<1024x128xi1>, vector<1024x128xi32>
    %slice3A_72 = vector.extract_strided_slice %dot_general3A_5 {offsets = [0, 640], sizes = [1024, 128], strides = [1, 1]} : vector<1024x8192xf32> to vector<1024x128xf32>
    %add3A_73 = vector.broadcast %get3A_8 : vector<1024x1xf32> to vector<1024x128xf32>
    %add3A_74 = arith.addf %add3A_73, %slice3A_72 : vector<1024x128xf32>
    %get3A_75 = arith.constant 0 : index
    %get3A_76 = arith.constant 640 : index
    %get3A_77 = vector.load %arg3[%get3A_75, %get3A_76] : memref<1x8192xf32, #tpu.memory_space<vmem>>, vector<1x128xf32>
    %add3A_78 = vector.broadcast %get3A_77 : vector<1x128xf32> to vector<1024x128xf32>
    %add3A_79 = arith.addf %add3A_74, %add3A_78 : vector<1024x128xf32>
    %lt3A_80 = arith.cmpf olt, %add3A_79, %select_n3A_68 : vector<1024x128xf32>
    %select_n3A_81 = arith.select %lt3A_80, %add3A_79, %select_n3A_68 : vector<1024x128xi1>, vector<1024x128xf32>
    %jit3A_82 = arith.constant 5 : i32
    %broadcast_in_dim3A_83 = vector.broadcast %jit3A_82 : i32 to vector<1024x128xi32>
    %select_n3A_84 = arith.select %lt3A_80, %broadcast_in_dim3A_83, %select_n3A_71 : vector<1024x128xi1>, vector<1024x128xi32>
    %slice3A_85 = vector.extract_strided_slice %dot_general3A_5 {offsets = [0, 768], sizes = [1024, 128], strides = [1, 1]} : vector<1024x8192xf32> to vector<1024x128xf32>
    %add3A_86 = vector.broadcast %get3A_8 : vector<1024x1xf32> to vector<1024x128xf32>
    %add3A_87 = arith.addf %add3A_86, %slice3A_85 : vector<1024x128xf32>
    %get3A_88 = arith.constant 0 : index
    %get3A_89 = arith.constant 768 : index
    %get3A_90 = vector.load %arg3[%get3A_88, %get3A_89] : memref<1x8192xf32, #tpu.memory_space<vmem>>, vector<1x128xf32>
    %add3A_91 = vector.broadcast %get3A_90 : vector<1x128xf32> to vector<1024x128xf32>
    %add3A_92 = arith.addf %add3A_87, %add3A_91 : vector<1024x128xf32>
    %lt3A_93 = arith.cmpf olt, %add3A_92, %select_n3A_81 : vector<1024x128xf32>
    %select_n3A_94 = arith.select %lt3A_93, %add3A_92, %select_n3A_81 : vector<1024x128xi1>, vector<1024x128xf32>
    %jit3A_95 = arith.constant 6 : i32
    %broadcast_in_dim3A_96 = vector.broadcast %jit3A_95 : i32 to vector<1024x128xi32>
    %select_n3A_97 = arith.select %lt3A_93, %broadcast_in_dim3A_96, %select_n3A_84 : vector<1024x128xi1>, vector<1024x128xi32>
    %slice3A_98 = vector.extract_strided_slice %dot_general3A_5 {offsets = [0, 896], sizes = [1024, 128], strides = [1, 1]} : vector<1024x8192xf32> to vector<1024x128xf32>
    %add3A_99 = vector.broadcast %get3A_8 : vector<1024x1xf32> to vector<1024x128xf32>
    %add3A_100 = arith.addf %add3A_99, %slice3A_98 : vector<1024x128xf32>
    %get3A_101 = arith.constant 0 : index
    %get3A_102 = arith.constant 896 : index
    %get3A_103 = vector.load %arg3[%get3A_101, %get3A_102] : memref<1x8192xf32, #tpu.memory_space<vmem>>, vector<1x128xf32>
    %add3A_104 = vector.broadcast %get3A_103 : vector<1x128xf32> to vector<1024x128xf32>
    %add3A_105 = arith.addf %add3A_100, %add3A_104 : vector<1024x128xf32>
    %lt3A_106 = arith.cmpf olt, %add3A_105, %select_n3A_94 : vector<1024x128xf32>
    %select_n3A_107 = arith.select %lt3A_106, %add3A_105, %select_n3A_94 : vector<1024x128xi1>, vector<1024x128xf32>
    %jit3A_108 = arith.constant 7 : i32
    %broadcast_in_dim3A_109 = vector.broadcast %jit3A_108 : i32 to vector<1024x128xi32>
    %select_n3A_110 = arith.select %lt3A_106, %broadcast_in_dim3A_109, %select_n3A_97 : vector<1024x128xi1>, vector<1024x128xi32>
    %slice3A_111 = vector.extract_strided_slice %dot_general3A_5 {offsets = [0, 1024], sizes = [1024, 128], strides = [1, 1]} : vector<1024x8192xf32> to vector<1024x128xf32>
    %add3A_112 = vector.broadcast %get3A_8 : vector<1024x1xf32> to vector<1024x128xf32>
    %add3A_113 = arith.addf %add3A_112, %slice3A_111 : vector<1024x128xf32>
    %get3A_114 = arith.constant 0 : index
    %get3A_115 = arith.constant 1024 : index
    %get3A_116 = vector.load %arg3[%get3A_114, %get3A_115] : memref<1x8192xf32, #tpu.memory_space<vmem>>, vector<1x128xf32>
    %add3A_117 = vector.broadcast %get3A_116 : vector<1x128xf32> to vector<1024x128xf32>
    %add3A_118 = arith.addf %add3A_113, %add3A_117 : vector<1024x128xf32>
    %lt3A_119 = arith.cmpf olt, %add3A_118, %select_n3A_107 : vector<1024x128xf32>
    %select_n3A_120 = arith.select %lt3A_119, %add3A_118, %select_n3A_107 : vector<1024x128xi1>, vector<1024x128xf32>
    %jit3A_121 = arith.constant 8 : i32
    %broadcast_in_dim3A_122 = vector.broadcast %jit3A_121 : i32 to vector<1024x128xi32>
    %select_n3A_123 = arith.select %lt3A_119, %broadcast_in_dim3A_122, %select_n3A_110 : vector<1024x128xi1>, vector<1024x128xi32>
    %slice3A_124 = vector.extract_strided_slice %dot_general3A_5 {offsets = [0, 1152], sizes = [1024, 128], strides = [1, 1]} : vector<1024x8192xf32> to vector<1024x128xf32>
    %add3A_125 = vector.broadcast %get3A_8 : vector<1024x1xf32> to vector<1024x128xf32>
    %add3A_126 = arith.addf %add3A_125, %slice3A_124 : vector<1024x128xf32>
    %get3A_127 = arith.constant 0 : index
    %get3A_128 = arith.constant 1152 : index
    %get3A_129 = vector.load %arg3[%get3A_127, %get3A_128] : memref<1x8192xf32, #tpu.memory_space<vmem>>, vector<1x128xf32>
    %add3A_130 = vector.broadcast %get3A_129 : vector<1x128xf32> to vector<1024x128xf32>
    %add3A_131 = arith.addf %add3A_126, %add3A_130 : vector<1024x128xf32>
    %lt3A_132 = arith.cmpf olt, %add3A_131, %select_n3A_120 : vector<1024x128xf32>
    %select_n3A_133 = arith.select %lt3A_132, %add3A_131, %select_n3A_120 : vector<1024x128xi1>, vector<1024x128xf32>
    %jit3A_134 = arith.constant 9 : i32
    %broadcast_in_dim3A_135 = vector.broadcast %jit3A_134 : i32 to vector<1024x128xi32>
    %select_n3A_136 = arith.select %lt3A_132, %broadcast_in_dim3A_135, %select_n3A_123 : vector<1024x128xi1>, vector<1024x128xi32>
    %slice3A_137 = vector.extract_strided_slice %dot_general3A_5 {offsets = [0, 1280], sizes = [1024, 128], strides = [1, 1]} : vector<1024x8192xf32> to vector<1024x128xf32>
    %add3A_138 = vector.broadcast %get3A_8 : vector<1024x1xf32> to vector<1024x128xf32>
    %add3A_139 = arith.addf %add3A_138, %slice3A_137 : vector<1024x128xf32>
    %get3A_140 = arith.constant 0 : index
    %get3A_141 = arith.constant 1280 : index
    %get3A_142 = vector.load %arg3[%get3A_140, %get3A_141] : memref<1x8192xf32, #tpu.memory_space<vmem>>, vector<1x128xf32>
    %add3A_143 = vector.broadcast %get3A_142 : vector<1x128xf32> to vector<1024x128xf32>
    %add3A_144 = arith.addf %add3A_139, %add3A_143 : vector<1024x128xf32>
    %lt3A_145 = arith.cmpf olt, %add3A_144, %select_n3A_133 : vector<1024x128xf32>
    %select_n3A_146 = arith.select %lt3A_145, %add3A_144, %select_n3A_133 : vector<1024x128xi1>, vector<1024x128xf32>
    %jit3A_147 = arith.constant 10 : i32
    %broadcast_in_dim3A_148 = vector.broadcast %jit3A_147 : i32 to vector<1024x128xi32>
    %select_n3A_149 = arith.select %lt3A_145, %broadcast_in_dim3A_148, %select_n3A_136 : vector<1024x128xi1>, vector<1024x128xi32>
    %slice3A_150 = vector.extract_strided_slice %dot_general3A_5 {offsets = [0, 1408], sizes = [1024, 128], strides = [1, 1]} : vector<1024x8192xf32> to vector<1024x128xf32>
    %add3A_151 = vector.broadcast %get3A_8 : vector<1024x1xf32> to vector<1024x128xf32>
    %add3A_152 = arith.addf %add3A_151, %slice3A_150 : vector<1024x128xf32>
    %get3A_153 = arith.constant 0 : index
    %get3A_154 = arith.constant 1408 : index
    %get3A_155 = vector.load %arg3[%get3A_153, %get3A_154] : memref<1x8192xf32, #tpu.memory_space<vmem>>, vector<1x128xf32>
    %add3A_156 = vector.broadcast %get3A_155 : vector<1x128xf32> to vector<1024x128xf32>
    %add3A_157 = arith.addf %add3A_152, %add3A_156 : vector<1024x128xf32>
    %lt3A_158 = arith.cmpf olt, %add3A_157, %select_n3A_146 : vector<1024x128xf32>
    %select_n3A_159 = arith.select %lt3A_158, %add3A_157, %select_n3A_146 : vector<1024x128xi1>, vector<1024x128xf32>
    %jit3A_160 = arith.constant 11 : i32
    %broadcast_in_dim3A_161 = vector.broadcast %jit3A_160 : i32 to vector<1024x128xi32>
    %select_n3A_162 = arith.select %lt3A_158, %broadcast_in_dim3A_161, %select_n3A_149 : vector<1024x128xi1>, vector<1024x128xi32>
    %slice3A_163 = vector.extract_strided_slice %dot_general3A_5 {offsets = [0, 1536], sizes = [1024, 128], strides = [1, 1]} : vector<1024x8192xf32> to vector<1024x128xf32>
    %add3A_164 = vector.broadcast %get3A_8 : vector<1024x1xf32> to vector<1024x128xf32>
    %add3A_165 = arith.addf %add3A_164, %slice3A_163 : vector<1024x128xf32>
    %get3A_166 = arith.constant 0 : index
    %get3A_167 = arith.constant 1536 : index
    %get3A_168 = vector.load %arg3[%get3A_166, %get3A_167] : memref<1x8192xf32, #tpu.memory_space<vmem>>, vector<1x128xf32>
    %add3A_169 = vector.broadcast %get3A_168 : vector<1x128xf32> to vector<1024x128xf32>
    %add3A_170 = arith.addf %add3A_165, %add3A_169 : vector<1024x128xf32>
    %lt3A_171 = arith.cmpf olt, %add3A_170, %select_n3A_159 : vector<1024x128xf32>
    %select_n3A_172 = arith.select %lt3A_171, %add3A_170, %select_n3A_159 : vector<1024x128xi1>, vector<1024x128xf32>
    %jit3A_173 = arith.constant 12 : i32
    %broadcast_in_dim3A_174 = vector.broadcast %jit3A_173 : i32 to vector<1024x128xi32>
    %select_n3A_175 = arith.select %lt3A_171, %broadcast_in_dim3A_174, %select_n3A_162 : vector<1024x128xi1>, vector<1024x128xi32>
    %slice3A_176 = vector.extract_strided_slice %dot_general3A_5 {offsets = [0, 1664], sizes = [1024, 128], strides = [1, 1]} : vector<1024x8192xf32> to vector<1024x128xf32>
    %add3A_177 = vector.broadcast %get3A_8 : vector<1024x1xf32> to vector<1024x128xf32>
    %add3A_178 = arith.addf %add3A_177, %slice3A_176 : vector<1024x128xf32>
    %get3A_179 = arith.constant 0 : index
    %get3A_180 = arith.constant 1664 : index
    %get3A_181 = vector.load %arg3[%get3A_179, %get3A_180] : memref<1x8192xf32, #tpu.memory_space<vmem>>, vector<1x128xf32>
    %add3A_182 = vector.broadcast %get3A_181 : vector<1x128xf32> to vector<1024x128xf32>
    %add3A_183 = arith.addf %add3A_178, %add3A_182 : vector<1024x128xf32>
    %lt3A_184 = arith.cmpf olt, %add3A_183, %select_n3A_172 : vector<1024x128xf32>
    %select_n3A_185 = arith.select %lt3A_184, %add3A_183, %select_n3A_172 : vector<1024x128xi1>, vector<1024x128xf32>
    %jit3A_186 = arith.constant 13 : i32
    %broadcast_in_dim3A_187 = vector.broadcast %jit3A_186 : i32 to vector<1024x128xi32>
    %select_n3A_188 = arith.select %lt3A_184, %broadcast_in_dim3A_187, %select_n3A_175 : vector<1024x128xi1>, vector<1024x128xi32>
    %slice3A_189 = vector.extract_strided_slice %dot_general3A_5 {offsets = [0, 1792], sizes = [1024, 128], strides = [1, 1]} : vector<1024x8192xf32> to vector<1024x128xf32>
    %add3A_190 = vector.broadcast %get3A_8 : vector<1024x1xf32> to vector<1024x128xf32>
    %add3A_191 = arith.addf %add3A_190, %slice3A_189 : vector<1024x128xf32>
    %get3A_192 = arith.constant 0 : index
    %get3A_193 = arith.constant 1792 : index
    %get3A_194 = vector.load %arg3[%get3A_192, %get3A_193] : memref<1x8192xf32, #tpu.memory_space<vmem>>, vector<1x128xf32>
    %add3A_195 = vector.broadcast %get3A_194 : vector<1x128xf32> to vector<1024x128xf32>
    %add3A_196 = arith.addf %add3A_191, %add3A_195 : vector<1024x128xf32>
    %lt3A_197 = arith.cmpf olt, %add3A_196, %select_n3A_185 : vector<1024x128xf32>
    %select_n3A_198 = arith.select %lt3A_197, %add3A_196, %select_n3A_185 : vector<1024x128xi1>, vector<1024x128xf32>
    %jit3A_199 = arith.constant 14 : i32
    %broadcast_in_dim3A_200 = vector.broadcast %jit3A_199 : i32 to vector<1024x128xi32>
    %select_n3A_201 = arith.select %lt3A_197, %broadcast_in_dim3A_200, %select_n3A_188 : vector<1024x128xi1>, vector<1024x128xi32>
    %slice3A_202 = vector.extract_strided_slice %dot_general3A_5 {offsets = [0, 1920], sizes = [1024, 128], strides = [1, 1]} : vector<1024x8192xf32> to vector<1024x128xf32>
    %add3A_203 = vector.broadcast %get3A_8 : vector<1024x1xf32> to vector<1024x128xf32>
    %add3A_204 = arith.addf %add3A_203, %slice3A_202 : vector<1024x128xf32>
    %get3A_205 = arith.constant 0 : index
    %get3A_206 = arith.constant 1920 : index
    %get3A_207 = vector.load %arg3[%get3A_205, %get3A_206] : memref<1x8192xf32, #tpu.memory_space<vmem>>, vector<1x128xf32>
    %add3A_208 = vector.broadcast %get3A_207 : vector<1x128xf32> to vector<1024x128xf32>
    %add3A_209 = arith.addf %add3A_204, %add3A_208 : vector<1024x128xf32>
    %lt3A_210 = arith.cmpf olt, %add3A_209, %select_n3A_198 : vector<1024x128xf32>
    %select_n3A_211 = arith.select %lt3A_210, %add3A_209, %select_n3A_198 : vector<1024x128xi1>, vector<1024x128xf32>
    %jit3A_212 = arith.constant 15 : i32
    %broadcast_in_dim3A_213 = vector.broadcast %jit3A_212 : i32 to vector<1024x128xi32>
    %select_n3A_214 = arith.select %lt3A_210, %broadcast_in_dim3A_213, %select_n3A_201 : vector<1024x128xi1>, vector<1024x128xi32>
    %slice3A_215 = vector.extract_strided_slice %dot_general3A_5 {offsets = [0, 2048], sizes = [1024, 128], strides = [1, 1]} : vector<1024x8192xf32> to vector<1024x128xf32>
    %add3A_216 = vector.broadcast %get3A_8 : vector<1024x1xf32> to vector<1024x128xf32>
    %add3A_217 = arith.addf %add3A_216, %slice3A_215 : vector<1024x128xf32>
    %get3A_218 = arith.constant 0 : index
    %get3A_219 = arith.constant 2048 : index
    %get3A_220 = vector.load %arg3[%get3A_218, %get3A_219] : memref<1x8192xf32, #tpu.memory_space<vmem>>, vector<1x128xf32>
    %add3A_221 = vector.broadcast %get3A_220 : vector<1x128xf32> to vector<1024x128xf32>
    %add3A_222 = arith.addf %add3A_217, %add3A_221 : vector<1024x128xf32>
    %lt3A_223 = arith.cmpf olt, %add3A_222, %select_n3A_211 : vector<1024x128xf32>
    %select_n3A_224 = arith.select %lt3A_223, %add3A_222, %select_n3A_211 : vector<1024x128xi1>, vector<1024x128xf32>
    %jit3A_225 = arith.constant 16 : i32
    %broadcast_in_dim3A_226 = vector.broadcast %jit3A_225 : i32 to vector<1024x128xi32>
    %select_n3A_227 = arith.select %lt3A_223, %broadcast_in_dim3A_226, %select_n3A_214 : vector<1024x128xi1>, vector<1024x128xi32>
    %slice3A_228 = vector.extract_strided_slice %dot_general3A_5 {offsets = [0, 2176], sizes = [1024, 128], strides = [1, 1]} : vector<1024x8192xf32> to vector<1024x128xf32>
    %add3A_229 = vector.broadcast %get3A_8 : vector<1024x1xf32> to vector<1024x128xf32>
    %add3A_230 = arith.addf %add3A_229, %slice3A_228 : vector<1024x128xf32>
    %get3A_231 = arith.constant 0 : index
    %get3A_232 = arith.constant 2176 : index
    %get3A_233 = vector.load %arg3[%get3A_231, %get3A_232] : memref<1x8192xf32, #tpu.memory_space<vmem>>, vector<1x128xf32>
    %add3A_234 = vector.broadcast %get3A_233 : vector<1x128xf32> to vector<1024x128xf32>
    %add3A_235 = arith.addf %add3A_230, %add3A_234 : vector<1024x128xf32>
    %lt3A_236 = arith.cmpf olt, %add3A_235, %select_n3A_224 : vector<1024x128xf32>
    %select_n3A_237 = arith.select %lt3A_236, %add3A_235, %select_n3A_224 : vector<1024x128xi1>, vector<1024x128xf32>
    %jit3A_238 = arith.constant 17 : i32
    %broadcast_in_dim3A_239 = vector.broadcast %jit3A_238 : i32 to vector<1024x128xi32>
    %select_n3A_240 = arith.select %lt3A_236, %broadcast_in_dim3A_239, %select_n3A_227 : vector<1024x128xi1>, vector<1024x128xi32>
    %slice3A_241 = vector.extract_strided_slice %dot_general3A_5 {offsets = [0, 2304], sizes = [1024, 128], strides = [1, 1]} : vector<1024x8192xf32> to vector<1024x128xf32>
    %add3A_242 = vector.broadcast %get3A_8 : vector<1024x1xf32> to vector<1024x128xf32>
    %add3A_243 = arith.addf %add3A_242, %slice3A_241 : vector<1024x128xf32>
    %get3A_244 = arith.constant 0 : index
    %get3A_245 = arith.constant 2304 : index
    %get3A_246 = vector.load %arg3[%get3A_244, %get3A_245] : memref<1x8192xf32, #tpu.memory_space<vmem>>, vector<1x128xf32>
    %add3A_247 = vector.broadcast %get3A_246 : vector<1x128xf32> to vector<1024x128xf32>
    %add3A_248 = arith.addf %add3A_243, %add3A_247 : vector<1024x128xf32>
    %lt3A_249 = arith.cmpf olt, %add3A_248, %select_n3A_237 : vector<1024x128xf32>
    %select_n3A_250 = arith.select %lt3A_249, %add3A_248, %select_n3A_237 : vector<1024x128xi1>, vector<1024x128xf32>
    %jit3A_251 = arith.constant 18 : i32
    %broadcast_in_dim3A_252 = vector.broadcast %jit3A_251 : i32 to vector<1024x128xi32>
    %select_n3A_253 = arith.select %lt3A_249, %broadcast_in_dim3A_252, %select_n3A_240 : vector<1024x128xi1>, vector<1024x128xi32>
    %slice3A_254 = vector.extract_strided_slice %dot_general3A_5 {offsets = [0, 2432], sizes = [1024, 128], strides = [1, 1]} : vector<1024x8192xf32> to vector<1024x128xf32>
    %add3A_255 = vector.broadcast %get3A_8 : vector<1024x1xf32> to vector<1024x128xf32>
    %add3A_256 = arith.addf %add3A_255, %slice3A_254 : vector<1024x128xf32>
    %get3A_257 = arith.constant 0 : index
    %get3A_258 = arith.constant 2432 : index
    %get3A_259 = vector.load %arg3[%get3A_257, %get3A_258] : memref<1x8192xf32, #tpu.memory_space<vmem>>, vector<1x128xf32>
    %add3A_260 = vector.broadcast %get3A_259 : vector<1x128xf32> to vector<1024x128xf32>
    %add3A_261 = arith.addf %add3A_256, %add3A_260 : vector<1024x128xf32>
    %lt3A_262 = arith.cmpf olt, %add3A_261, %select_n3A_250 : vector<1024x128xf32>
    %select_n3A_263 = arith.select %lt3A_262, %add3A_261, %select_n3A_250 : vector<1024x128xi1>, vector<1024x128xf32>
    %jit3A_264 = arith.constant 19 : i32
    %broadcast_in_dim3A_265 = vector.broadcast %jit3A_264 : i32 to vector<1024x128xi32>
    %select_n3A_266 = arith.select %lt3A_262, %broadcast_in_dim3A_265, %select_n3A_253 : vector<1024x128xi1>, vector<1024x128xi32>
    %slice3A_267 = vector.extract_strided_slice %dot_general3A_5 {offsets = [0, 2560], sizes = [1024, 128], strides = [1, 1]} : vector<1024x8192xf32> to vector<1024x128xf32>
    %add3A_268 = vector.broadcast %get3A_8 : vector<1024x1xf32> to vector<1024x128xf32>
    %add3A_269 = arith.addf %add3A_268, %slice3A_267 : vector<1024x128xf32>
    %get3A_270 = arith.constant 0 : index
    %get3A_271 = arith.constant 2560 : index
    %get3A_272 = vector.load %arg3[%get3A_270, %get3A_271] : memref<1x8192xf32, #tpu.memory_space<vmem>>, vector<1x128xf32>
    %add3A_273 = vector.broadcast %get3A_272 : vector<1x128xf32> to vector<1024x128xf32>
    %add3A_274 = arith.addf %add3A_269, %add3A_273 : vector<1024x128xf32>
    %lt3A_275 = arith.cmpf olt, %add3A_274, %select_n3A_263 : vector<1024x128xf32>
    %select_n3A_276 = arith.select %lt3A_275, %add3A_274, %select_n3A_263 : vector<1024x128xi1>, vector<1024x128xf32>
    %jit3A_277 = arith.constant 20 : i32
    %broadcast_in_dim3A_278 = vector.broadcast %jit3A_277 : i32 to vector<1024x128xi32>
    %select_n3A_279 = arith.select %lt3A_275, %broadcast_in_dim3A_278, %select_n3A_266 : vector<1024x128xi1>, vector<1024x128xi32>
    %slice3A_280 = vector.extract_strided_slice %dot_general3A_5 {offsets = [0, 2688], sizes = [1024, 128], strides = [1, 1]} : vector<1024x8192xf32> to vector<1024x128xf32>
    %add3A_281 = vector.broadcast %get3A_8 : vector<1024x1xf32> to vector<1024x128xf32>
    %add3A_282 = arith.addf %add3A_281, %slice3A_280 : vector<1024x128xf32>
    %get3A_283 = arith.constant 0 : index
    %get3A_284 = arith.constant 2688 : index
    %get3A_285 = vector.load %arg3[%get3A_283, %get3A_284] : memref<1x8192xf32, #tpu.memory_space<vmem>>, vector<1x128xf32>
    %add3A_286 = vector.broadcast %get3A_285 : vector<1x128xf32> to vector<1024x128xf32>
    %add3A_287 = arith.addf %add3A_282, %add3A_286 : vector<1024x128xf32>
    %lt3A_288 = arith.cmpf olt, %add3A_287, %select_n3A_276 : vector<1024x128xf32>
    %select_n3A_289 = arith.select %lt3A_288, %add3A_287, %select_n3A_276 : vector<1024x128xi1>, vector<1024x128xf32>
    %jit3A_290 = arith.constant 21 : i32
    %broadcast_in_dim3A_291 = vector.broadcast %jit3A_290 : i32 to vector<1024x128xi32>
    %select_n3A_292 = arith.select %lt3A_288, %broadcast_in_dim3A_291, %select_n3A_279 : vector<1024x128xi1>, vector<1024x128xi32>
    %slice3A_293 = vector.extract_strided_slice %dot_general3A_5 {offsets = [0, 2816], sizes = [1024, 128], strides = [1, 1]} : vector<1024x8192xf32> to vector<1024x128xf32>
    %add3A_294 = vector.broadcast %get3A_8 : vector<1024x1xf32> to vector<1024x128xf32>
    %add3A_295 = arith.addf %add3A_294, %slice3A_293 : vector<1024x128xf32>
    %get3A_296 = arith.constant 0 : index
    %get3A_297 = arith.constant 2816 : index
    %get3A_298 = vector.load %arg3[%get3A_296, %get3A_297] : memref<1x8192xf32, #tpu.memory_space<vmem>>, vector<1x128xf32>
    %add3A_299 = vector.broadcast %get3A_298 : vector<1x128xf32> to vector<1024x128xf32>
    %add3A_300 = arith.addf %add3A_295, %add3A_299 : vector<1024x128xf32>
    %lt3A_301 = arith.cmpf olt, %add3A_300, %select_n3A_289 : vector<1024x128xf32>
    %select_n3A_302 = arith.select %lt3A_301, %add3A_300, %select_n3A_289 : vector<1024x128xi1>, vector<1024x128xf32>
    %jit3A_303 = arith.constant 22 : i32
    %broadcast_in_dim3A_304 = vector.broadcast %jit3A_303 : i32 to vector<1024x128xi32>
    %select_n3A_305 = arith.select %lt3A_301, %broadcast_in_dim3A_304, %select_n3A_292 : vector<1024x128xi1>, vector<1024x128xi32>
    %slice3A_306 = vector.extract_strided_slice %dot_general3A_5 {offsets = [0, 2944], sizes = [1024, 128], strides = [1, 1]} : vector<1024x8192xf32> to vector<1024x128xf32>
    %add3A_307 = vector.broadcast %get3A_8 : vector<1024x1xf32> to vector<1024x128xf32>
    %add3A_308 = arith.addf %add3A_307, %slice3A_306 : vector<1024x128xf32>
    %get3A_309 = arith.constant 0 : index
    %get3A_310 = arith.constant 2944 : index
    %get3A_311 = vector.load %arg3[%get3A_309, %get3A_310] : memref<1x8192xf32, #tpu.memory_space<vmem>>, vector<1x128xf32>
    %add3A_312 = vector.broadcast %get3A_311 : vector<1x128xf32> to vector<1024x128xf32>
    %add3A_313 = arith.addf %add3A_308, %add3A_312 : vector<1024x128xf32>
    %lt3A_314 = arith.cmpf olt, %add3A_313, %select_n3A_302 : vector<1024x128xf32>
    %select_n3A_315 = arith.select %lt3A_314, %add3A_313, %select_n3A_302 : vector<1024x128xi1>, vector<1024x128xf32>
    %jit3A_316 = arith.constant 23 : i32
    %broadcast_in_dim3A_317 = vector.broadcast %jit3A_316 : i32 to vector<1024x128xi32>
    %select_n3A_318 = arith.select %lt3A_314, %broadcast_in_dim3A_317, %select_n3A_305 : vector<1024x128xi1>, vector<1024x128xi32>
    %slice3A_319 = vector.extract_strided_slice %dot_general3A_5 {offsets = [0, 3072], sizes = [1024, 128], strides = [1, 1]} : vector<1024x8192xf32> to vector<1024x128xf32>
    %add3A_320 = vector.broadcast %get3A_8 : vector<1024x1xf32> to vector<1024x128xf32>
    %add3A_321 = arith.addf %add3A_320, %slice3A_319 : vector<1024x128xf32>
    %get3A_322 = arith.constant 0 : index
    %get3A_323 = arith.constant 3072 : index
    %get3A_324 = vector.load %arg3[%get3A_322, %get3A_323] : memref<1x8192xf32, #tpu.memory_space<vmem>>, vector<1x128xf32>
    %add3A_325 = vector.broadcast %get3A_324 : vector<1x128xf32> to vector<1024x128xf32>
    %add3A_326 = arith.addf %add3A_321, %add3A_325 : vector<1024x128xf32>
    %lt3A_327 = arith.cmpf olt, %add3A_326, %select_n3A_315 : vector<1024x128xf32>
    %select_n3A_328 = arith.select %lt3A_327, %add3A_326, %select_n3A_315 : vector<1024x128xi1>, vector<1024x128xf32>
    %jit3A_329 = arith.constant 24 : i32
    %broadcast_in_dim3A_330 = vector.broadcast %jit3A_329 : i32 to vector<1024x128xi32>
    %select_n3A_331 = arith.select %lt3A_327, %broadcast_in_dim3A_330, %select_n3A_318 : vector<1024x128xi1>, vector<1024x128xi32>
    %slice3A_332 = vector.extract_strided_slice %dot_general3A_5 {offsets = [0, 3200], sizes = [1024, 128], strides = [1, 1]} : vector<1024x8192xf32> to vector<1024x128xf32>
    %add3A_333 = vector.broadcast %get3A_8 : vector<1024x1xf32> to vector<1024x128xf32>
    %add3A_334 = arith.addf %add3A_333, %slice3A_332 : vector<1024x128xf32>
    %get3A_335 = arith.constant 0 : index
    %get3A_336 = arith.constant 3200 : index
    %get3A_337 = vector.load %arg3[%get3A_335, %get3A_336] : memref<1x8192xf32, #tpu.memory_space<vmem>>, vector<1x128xf32>
    %add3A_338 = vector.broadcast %get3A_337 : vector<1x128xf32> to vector<1024x128xf32>
    %add3A_339 = arith.addf %add3A_334, %add3A_338 : vector<1024x128xf32>
    %lt3A_340 = arith.cmpf olt, %add3A_339, %select_n3A_328 : vector<1024x128xf32>
    %select_n3A_341 = arith.select %lt3A_340, %add3A_339, %select_n3A_328 : vector<1024x128xi1>, vector<1024x128xf32>
    %jit3A_342 = arith.constant 25 : i32
    %broadcast_in_dim3A_343 = vector.broadcast %jit3A_342 : i32 to vector<1024x128xi32>
    %select_n3A_344 = arith.select %lt3A_340, %broadcast_in_dim3A_343, %select_n3A_331 : vector<1024x128xi1>, vector<1024x128xi32>
    %slice3A_345 = vector.extract_strided_slice %dot_general3A_5 {offsets = [0, 3328], sizes = [1024, 128], strides = [1, 1]} : vector<1024x8192xf32> to vector<1024x128xf32>
    %add3A_346 = vector.broadcast %get3A_8 : vector<1024x1xf32> to vector<1024x128xf32>
    %add3A_347 = arith.addf %add3A_346, %slice3A_345 : vector<1024x128xf32>
    %get3A_348 = arith.constant 0 : index
    %get3A_349 = arith.constant 3328 : index
    %get3A_350 = vector.load %arg3[%get3A_348, %get3A_349] : memref<1x8192xf32, #tpu.memory_space<vmem>>, vector<1x128xf32>
    %add3A_351 = vector.broadcast %get3A_350 : vector<1x128xf32> to vector<1024x128xf32>
    %add3A_352 = arith.addf %add3A_347, %add3A_351 : vector<1024x128xf32>
    %lt3A_353 = arith.cmpf olt, %add3A_352, %select_n3A_341 : vector<1024x128xf32>
    %select_n3A_354 = arith.select %lt3A_353, %add3A_352, %select_n3A_341 : vector<1024x128xi1>, vector<1024x128xf32>
    %jit3A_355 = arith.constant 26 : i32
    %broadcast_in_dim3A_356 = vector.broadcast %jit3A_355 : i32 to vector<1024x128xi32>
    %select_n3A_357 = arith.select %lt3A_353, %broadcast_in_dim3A_356, %select_n3A_344 : vector<1024x128xi1>, vector<1024x128xi32>
    %slice3A_358 = vector.extract_strided_slice %dot_general3A_5 {offsets = [0, 3456], sizes = [1024, 128], strides = [1, 1]} : vector<1024x8192xf32> to vector<1024x128xf32>
    %add3A_359 = vector.broadcast %get3A_8 : vector<1024x1xf32> to vector<1024x128xf32>
    %add3A_360 = arith.addf %add3A_359, %slice3A_358 : vector<1024x128xf32>
    %get3A_361 = arith.constant 0 : index
    %get3A_362 = arith.constant 3456 : index
    %get3A_363 = vector.load %arg3[%get3A_361, %get3A_362] : memref<1x8192xf32, #tpu.memory_space<vmem>>, vector<1x128xf32>
    %add3A_364 = vector.broadcast %get3A_363 : vector<1x128xf32> to vector<1024x128xf32>
    %add3A_365 = arith.addf %add3A_360, %add3A_364 : vector<1024x128xf32>
    %lt3A_366 = arith.cmpf olt, %add3A_365, %select_n3A_354 : vector<1024x128xf32>
    %select_n3A_367 = arith.select %lt3A_366, %add3A_365, %select_n3A_354 : vector<1024x128xi1>, vector<1024x128xf32>
    %jit3A_368 = arith.constant 27 : i32
    %broadcast_in_dim3A_369 = vector.broadcast %jit3A_368 : i32 to vector<1024x128xi32>
    %select_n3A_370 = arith.select %lt3A_366, %broadcast_in_dim3A_369, %select_n3A_357 : vector<1024x128xi1>, vector<1024x128xi32>
    %slice3A_371 = vector.extract_strided_slice %dot_general3A_5 {offsets = [0, 3584], sizes = [1024, 128], strides = [1, 1]} : vector<1024x8192xf32> to vector<1024x128xf32>
    %add3A_372 = vector.broadcast %get3A_8 : vector<1024x1xf32> to vector<1024x128xf32>
    %add3A_373 = arith.addf %add3A_372, %slice3A_371 : vector<1024x128xf32>
    %get3A_374 = arith.constant 0 : index
    %get3A_375 = arith.constant 3584 : index
    %get3A_376 = vector.load %arg3[%get3A_374, %get3A_375] : memref<1x8192xf32, #tpu.memory_space<vmem>>, vector<1x128xf32>
    %add3A_377 = vector.broadcast %get3A_376 : vector<1x128xf32> to vector<1024x128xf32>
    %add3A_378 = arith.addf %add3A_373, %add3A_377 : vector<1024x128xf32>
    %lt3A_379 = arith.cmpf olt, %add3A_378, %select_n3A_367 : vector<1024x128xf32>
    %select_n3A_380 = arith.select %lt3A_379, %add3A_378, %select_n3A_367 : vector<1024x128xi1>, vector<1024x128xf32>
    %jit3A_381 = arith.constant 28 : i32
    %broadcast_in_dim3A_382 = vector.broadcast %jit3A_381 : i32 to vector<1024x128xi32>
    %select_n3A_383 = arith.select %lt3A_379, %broadcast_in_dim3A_382, %select_n3A_370 : vector<1024x128xi1>, vector<1024x128xi32>
    %slice3A_384 = vector.extract_strided_slice %dot_general3A_5 {offsets = [0, 3712], sizes = [1024, 128], strides = [1, 1]} : vector<1024x8192xf32> to vector<1024x128xf32>
    %add3A_385 = vector.broadcast %get3A_8 : vector<1024x1xf32> to vector<1024x128xf32>
    %add3A_386 = arith.addf %add3A_385, %slice3A_384 : vector<1024x128xf32>
    %get3A_387 = arith.constant 0 : index
    %get3A_388 = arith.constant 3712 : index
    %get3A_389 = vector.load %arg3[%get3A_387, %get3A_388] : memref<1x8192xf32, #tpu.memory_space<vmem>>, vector<1x128xf32>
    %add3A_390 = vector.broadcast %get3A_389 : vector<1x128xf32> to vector<1024x128xf32>
    %add3A_391 = arith.addf %add3A_386, %add3A_390 : vector<1024x128xf32>
    %lt3A_392 = arith.cmpf olt, %add3A_391, %select_n3A_380 : vector<1024x128xf32>
    %select_n3A_393 = arith.select %lt3A_392, %add3A_391, %select_n3A_380 : vector<1024x128xi1>, vector<1024x128xf32>
    %jit3A_394 = arith.constant 29 : i32
    %broadcast_in_dim3A_395 = vector.broadcast %jit3A_394 : i32 to vector<1024x128xi32>
    %select_n3A_396 = arith.select %lt3A_392, %broadcast_in_dim3A_395, %select_n3A_383 : vector<1024x128xi1>, vector<1024x128xi32>
    %slice3A_397 = vector.extract_strided_slice %dot_general3A_5 {offsets = [0, 3840], sizes = [1024, 128], strides = [1, 1]} : vector<1024x8192xf32> to vector<1024x128xf32>
    %add3A_398 = vector.broadcast %get3A_8 : vector<1024x1xf32> to vector<1024x128xf32>
    %add3A_399 = arith.addf %add3A_398, %slice3A_397 : vector<1024x128xf32>
    %get3A_400 = arith.constant 0 : index
    %get3A_401 = arith.constant 3840 : index
    %get3A_402 = vector.load %arg3[%get3A_400, %get3A_401] : memref<1x8192xf32, #tpu.memory_space<vmem>>, vector<1x128xf32>
    %add3A_403 = vector.broadcast %get3A_402 : vector<1x128xf32> to vector<1024x128xf32>
    %add3A_404 = arith.addf %add3A_399, %add3A_403 : vector<1024x128xf32>
    %lt3A_405 = arith.cmpf olt, %add3A_404, %select_n3A_393 : vector<1024x128xf32>
    %select_n3A_406 = arith.select %lt3A_405, %add3A_404, %select_n3A_393 : vector<1024x128xi1>, vector<1024x128xf32>
    %jit3A_407 = arith.constant 30 : i32
    %broadcast_in_dim3A_408 = vector.broadcast %jit3A_407 : i32 to vector<1024x128xi32>
    %select_n3A_409 = arith.select %lt3A_405, %broadcast_in_dim3A_408, %select_n3A_396 : vector<1024x128xi1>, vector<1024x128xi32>
    %slice3A_410 = vector.extract_strided_slice %dot_general3A_5 {offsets = [0, 3968], sizes = [1024, 128], strides = [1, 1]} : vector<1024x8192xf32> to vector<1024x128xf32>
    %add3A_411 = vector.broadcast %get3A_8 : vector<1024x1xf32> to vector<1024x128xf32>
    %add3A_412 = arith.addf %add3A_411, %slice3A_410 : vector<1024x128xf32>
    %get3A_413 = arith.constant 0 : index
    %get3A_414 = arith.constant 3968 : index
    %get3A_415 = vector.load %arg3[%get3A_413, %get3A_414] : memref<1x8192xf32, #tpu.memory_space<vmem>>, vector<1x128xf32>
    %add3A_416 = vector.broadcast %get3A_415 : vector<1x128xf32> to vector<1024x128xf32>
    %add3A_417 = arith.addf %add3A_412, %add3A_416 : vector<1024x128xf32>
    %lt3A_418 = arith.cmpf olt, %add3A_417, %select_n3A_406 : vector<1024x128xf32>
    %select_n3A_419 = arith.select %lt3A_418, %add3A_417, %select_n3A_406 : vector<1024x128xi1>, vector<1024x128xf32>
    %jit3A_420 = arith.constant 31 : i32
    %broadcast_in_dim3A_421 = vector.broadcast %jit3A_420 : i32 to vector<1024x128xi32>
    %select_n3A_422 = arith.select %lt3A_418, %broadcast_in_dim3A_421, %select_n3A_409 : vector<1024x128xi1>, vector<1024x128xi32>
    %slice3A_423 = vector.extract_strided_slice %dot_general3A_5 {offsets = [0, 4096], sizes = [1024, 128], strides = [1, 1]} : vector<1024x8192xf32> to vector<1024x128xf32>
    %add3A_424 = vector.broadcast %get3A_8 : vector<1024x1xf32> to vector<1024x128xf32>
    %add3A_425 = arith.addf %add3A_424, %slice3A_423 : vector<1024x128xf32>
    %get3A_426 = arith.constant 0 : index
    %get3A_427 = arith.constant 4096 : index
    %get3A_428 = vector.load %arg3[%get3A_426, %get3A_427] : memref<1x8192xf32, #tpu.memory_space<vmem>>, vector<1x128xf32>
    %add3A_429 = vector.broadcast %get3A_428 : vector<1x128xf32> to vector<1024x128xf32>
    %add3A_430 = arith.addf %add3A_425, %add3A_429 : vector<1024x128xf32>
    %lt3A_431 = arith.cmpf olt, %add3A_430, %select_n3A_419 : vector<1024x128xf32>
    %select_n3A_432 = arith.select %lt3A_431, %add3A_430, %select_n3A_419 : vector<1024x128xi1>, vector<1024x128xf32>
    %jit3A_433 = arith.constant 32 : i32
    %broadcast_in_dim3A_434 = vector.broadcast %jit3A_433 : i32 to vector<1024x128xi32>
    %select_n3A_435 = arith.select %lt3A_431, %broadcast_in_dim3A_434, %select_n3A_422 : vector<1024x128xi1>, vector<1024x128xi32>
    %slice3A_436 = vector.extract_strided_slice %dot_general3A_5 {offsets = [0, 4224], sizes = [1024, 128], strides = [1, 1]} : vector<1024x8192xf32> to vector<1024x128xf32>
    %add3A_437 = vector.broadcast %get3A_8 : vector<1024x1xf32> to vector<1024x128xf32>
    %add3A_438 = arith.addf %add3A_437, %slice3A_436 : vector<1024x128xf32>
    %get3A_439 = arith.constant 0 : index
    %get3A_440 = arith.constant 4224 : index
    %get3A_441 = vector.load %arg3[%get3A_439, %get3A_440] : memref<1x8192xf32, #tpu.memory_space<vmem>>, vector<1x128xf32>
    %add3A_442 = vector.broadcast %get3A_441 : vector<1x128xf32> to vector<1024x128xf32>
    %add3A_443 = arith.addf %add3A_438, %add3A_442 : vector<1024x128xf32>
    %lt3A_444 = arith.cmpf olt, %add3A_443, %select_n3A_432 : vector<1024x128xf32>
    %select_n3A_445 = arith.select %lt3A_444, %add3A_443, %select_n3A_432 : vector<1024x128xi1>, vector<1024x128xf32>
    %jit3A_446 = arith.constant 33 : i32
    %broadcast_in_dim3A_447 = vector.broadcast %jit3A_446 : i32 to vector<1024x128xi32>
    %select_n3A_448 = arith.select %lt3A_444, %broadcast_in_dim3A_447, %select_n3A_435 : vector<1024x128xi1>, vector<1024x128xi32>
    %slice3A_449 = vector.extract_strided_slice %dot_general3A_5 {offsets = [0, 4352], sizes = [1024, 128], strides = [1, 1]} : vector<1024x8192xf32> to vector<1024x128xf32>
    %add3A_450 = vector.broadcast %get3A_8 : vector<1024x1xf32> to vector<1024x128xf32>
    %add3A_451 = arith.addf %add3A_450, %slice3A_449 : vector<1024x128xf32>
    %get3A_452 = arith.constant 0 : index
    %get3A_453 = arith.constant 4352 : index
    %get3A_454 = vector.load %arg3[%get3A_452, %get3A_453] : memref<1x8192xf32, #tpu.memory_space<vmem>>, vector<1x128xf32>
    %add3A_455 = vector.broadcast %get3A_454 : vector<1x128xf32> to vector<1024x128xf32>
    %add3A_456 = arith.addf %add3A_451, %add3A_455 : vector<1024x128xf32>
    %lt3A_457 = arith.cmpf olt, %add3A_456, %select_n3A_445 : vector<1024x128xf32>
    %select_n3A_458 = arith.select %lt3A_457, %add3A_456, %select_n3A_445 : vector<1024x128xi1>, vector<1024x128xf32>
    %jit3A_459 = arith.constant 34 : i32
    %broadcast_in_dim3A_460 = vector.broadcast %jit3A_459 : i32 to vector<1024x128xi32>
    %select_n3A_461 = arith.select %lt3A_457, %broadcast_in_dim3A_460, %select_n3A_448 : vector<1024x128xi1>, vector<1024x128xi32>
    %slice3A_462 = vector.extract_strided_slice %dot_general3A_5 {offsets = [0, 4480], sizes = [1024, 128], strides = [1, 1]} : vector<1024x8192xf32> to vector<1024x128xf32>
    %add3A_463 = vector.broadcast %get3A_8 : vector<1024x1xf32> to vector<1024x128xf32>
    %add3A_464 = arith.addf %add3A_463, %slice3A_462 : vector<1024x128xf32>
    %get3A_465 = arith.constant 0 : index
    %get3A_466 = arith.constant 4480 : index
    %get3A_467 = vector.load %arg3[%get3A_465, %get3A_466] : memref<1x8192xf32, #tpu.memory_space<vmem>>, vector<1x128xf32>
    %add3A_468 = vector.broadcast %get3A_467 : vector<1x128xf32> to vector<1024x128xf32>
    %add3A_469 = arith.addf %add3A_464, %add3A_468 : vector<1024x128xf32>
    %lt3A_470 = arith.cmpf olt, %add3A_469, %select_n3A_458 : vector<1024x128xf32>
    %select_n3A_471 = arith.select %lt3A_470, %add3A_469, %select_n3A_458 : vector<1024x128xi1>, vector<1024x128xf32>
    %jit3A_472 = arith.constant 35 : i32
    %broadcast_in_dim3A_473 = vector.broadcast %jit3A_472 : i32 to vector<1024x128xi32>
    %select_n3A_474 = arith.select %lt3A_470, %broadcast_in_dim3A_473, %select_n3A_461 : vector<1024x128xi1>, vector<1024x128xi32>
    %slice3A_475 = vector.extract_strided_slice %dot_general3A_5 {offsets = [0, 4608], sizes = [1024, 128], strides = [1, 1]} : vector<1024x8192xf32> to vector<1024x128xf32>
    %add3A_476 = vector.broadcast %get3A_8 : vector<1024x1xf32> to vector<1024x128xf32>
    %add3A_477 = arith.addf %add3A_476, %slice3A_475 : vector<1024x128xf32>
    %get3A_478 = arith.constant 0 : index
    %get3A_479 = arith.constant 4608 : index
    %get3A_480 = vector.load %arg3[%get3A_478, %get3A_479] : memref<1x8192xf32, #tpu.memory_space<vmem>>, vector<1x128xf32>
    %add3A_481 = vector.broadcast %get3A_480 : vector<1x128xf32> to vector<1024x128xf32>
    %add3A_482 = arith.addf %add3A_477, %add3A_481 : vector<1024x128xf32>
    %lt3A_483 = arith.cmpf olt, %add3A_482, %select_n3A_471 : vector<1024x128xf32>
    %select_n3A_484 = arith.select %lt3A_483, %add3A_482, %select_n3A_471 : vector<1024x128xi1>, vector<1024x128xf32>
    %jit3A_485 = arith.constant 36 : i32
    %broadcast_in_dim3A_486 = vector.broadcast %jit3A_485 : i32 to vector<1024x128xi32>
    %select_n3A_487 = arith.select %lt3A_483, %broadcast_in_dim3A_486, %select_n3A_474 : vector<1024x128xi1>, vector<1024x128xi32>
    %slice3A_488 = vector.extract_strided_slice %dot_general3A_5 {offsets = [0, 4736], sizes = [1024, 128], strides = [1, 1]} : vector<1024x8192xf32> to vector<1024x128xf32>
    %add3A_489 = vector.broadcast %get3A_8 : vector<1024x1xf32> to vector<1024x128xf32>
    %add3A_490 = arith.addf %add3A_489, %slice3A_488 : vector<1024x128xf32>
    %get3A_491 = arith.constant 0 : index
    %get3A_492 = arith.constant 4736 : index
    %get3A_493 = vector.load %arg3[%get3A_491, %get3A_492] : memref<1x8192xf32, #tpu.memory_space<vmem>>, vector<1x128xf32>
    %add3A_494 = vector.broadcast %get3A_493 : vector<1x128xf32> to vector<1024x128xf32>
    %add3A_495 = arith.addf %add3A_490, %add3A_494 : vector<1024x128xf32>
    %lt3A_496 = arith.cmpf olt, %add3A_495, %select_n3A_484 : vector<1024x128xf32>
    %select_n3A_497 = arith.select %lt3A_496, %add3A_495, %select_n3A_484 : vector<1024x128xi1>, vector<1024x128xf32>
    %jit3A_498 = arith.constant 37 : i32
    %broadcast_in_dim3A_499 = vector.broadcast %jit3A_498 : i32 to vector<1024x128xi32>
    %select_n3A_500 = arith.select %lt3A_496, %broadcast_in_dim3A_499, %select_n3A_487 : vector<1024x128xi1>, vector<1024x128xi32>
    %slice3A_501 = vector.extract_strided_slice %dot_general3A_5 {offsets = [0, 4864], sizes = [1024, 128], strides = [1, 1]} : vector<1024x8192xf32> to vector<1024x128xf32>
    %add3A_502 = vector.broadcast %get3A_8 : vector<1024x1xf32> to vector<1024x128xf32>
    %add3A_503 = arith.addf %add3A_502, %slice3A_501 : vector<1024x128xf32>
    %get3A_504 = arith.constant 0 : index
    %get3A_505 = arith.constant 4864 : index
    %get3A_506 = vector.load %arg3[%get3A_504, %get3A_505] : memref<1x8192xf32, #tpu.memory_space<vmem>>, vector<1x128xf32>
    %add3A_507 = vector.broadcast %get3A_506 : vector<1x128xf32> to vector<1024x128xf32>
    %add3A_508 = arith.addf %add3A_503, %add3A_507 : vector<1024x128xf32>
    %lt3A_509 = arith.cmpf olt, %add3A_508, %select_n3A_497 : vector<1024x128xf32>
    %select_n3A_510 = arith.select %lt3A_509, %add3A_508, %select_n3A_497 : vector<1024x128xi1>, vector<1024x128xf32>
    %jit3A_511 = arith.constant 38 : i32
    %broadcast_in_dim3A_512 = vector.broadcast %jit3A_511 : i32 to vector<1024x128xi32>
    %select_n3A_513 = arith.select %lt3A_509, %broadcast_in_dim3A_512, %select_n3A_500 : vector<1024x128xi1>, vector<1024x128xi32>
    %slice3A_514 = vector.extract_strided_slice %dot_general3A_5 {offsets = [0, 4992], sizes = [1024, 128], strides = [1, 1]} : vector<1024x8192xf32> to vector<1024x128xf32>
    %add3A_515 = vector.broadcast %get3A_8 : vector<1024x1xf32> to vector<1024x128xf32>
    %add3A_516 = arith.addf %add3A_515, %slice3A_514 : vector<1024x128xf32>
    %get3A_517 = arith.constant 0 : index
    %get3A_518 = arith.constant 4992 : index
    %get3A_519 = vector.load %arg3[%get3A_517, %get3A_518] : memref<1x8192xf32, #tpu.memory_space<vmem>>, vector<1x128xf32>
    %add3A_520 = vector.broadcast %get3A_519 : vector<1x128xf32> to vector<1024x128xf32>
    %add3A_521 = arith.addf %add3A_516, %add3A_520 : vector<1024x128xf32>
    %lt3A_522 = arith.cmpf olt, %add3A_521, %select_n3A_510 : vector<1024x128xf32>
    %select_n3A_523 = arith.select %lt3A_522, %add3A_521, %select_n3A_510 : vector<1024x128xi1>, vector<1024x128xf32>
    %jit3A_524 = arith.constant 39 : i32
    %broadcast_in_dim3A_525 = vector.broadcast %jit3A_524 : i32 to vector<1024x128xi32>
    %select_n3A_526 = arith.select %lt3A_522, %broadcast_in_dim3A_525, %select_n3A_513 : vector<1024x128xi1>, vector<1024x128xi32>
    %slice3A_527 = vector.extract_strided_slice %dot_general3A_5 {offsets = [0, 5120], sizes = [1024, 128], strides = [1, 1]} : vector<1024x8192xf32> to vector<1024x128xf32>
    %add3A_528 = vector.broadcast %get3A_8 : vector<1024x1xf32> to vector<1024x128xf32>
    %add3A_529 = arith.addf %add3A_528, %slice3A_527 : vector<1024x128xf32>
    %get3A_530 = arith.constant 0 : index
    %get3A_531 = arith.constant 5120 : index
    %get3A_532 = vector.load %arg3[%get3A_530, %get3A_531] : memref<1x8192xf32, #tpu.memory_space<vmem>>, vector<1x128xf32>
    %add3A_533 = vector.broadcast %get3A_532 : vector<1x128xf32> to vector<1024x128xf32>
    %add3A_534 = arith.addf %add3A_529, %add3A_533 : vector<1024x128xf32>
    %lt3A_535 = arith.cmpf olt, %add3A_534, %select_n3A_523 : vector<1024x128xf32>
    %select_n3A_536 = arith.select %lt3A_535, %add3A_534, %select_n3A_523 : vector<1024x128xi1>, vector<1024x128xf32>
    %jit3A_537 = arith.constant 40 : i32
    %broadcast_in_dim3A_538 = vector.broadcast %jit3A_537 : i32 to vector<1024x128xi32>
    %select_n3A_539 = arith.select %lt3A_535, %broadcast_in_dim3A_538, %select_n3A_526 : vector<1024x128xi1>, vector<1024x128xi32>
    %slice3A_540 = vector.extract_strided_slice %dot_general3A_5 {offsets = [0, 5248], sizes = [1024, 128], strides = [1, 1]} : vector<1024x8192xf32> to vector<1024x128xf32>
    %add3A_541 = vector.broadcast %get3A_8 : vector<1024x1xf32> to vector<1024x128xf32>
    %add3A_542 = arith.addf %add3A_541, %slice3A_540 : vector<1024x128xf32>
    %get3A_543 = arith.constant 0 : index
    %get3A_544 = arith.constant 5248 : index
    %get3A_545 = vector.load %arg3[%get3A_543, %get3A_544] : memref<1x8192xf32, #tpu.memory_space<vmem>>, vector<1x128xf32>
    %add3A_546 = vector.broadcast %get3A_545 : vector<1x128xf32> to vector<1024x128xf32>
    %add3A_547 = arith.addf %add3A_542, %add3A_546 : vector<1024x128xf32>
    %lt3A_548 = arith.cmpf olt, %add3A_547, %select_n3A_536 : vector<1024x128xf32>
    %select_n3A_549 = arith.select %lt3A_548, %add3A_547, %select_n3A_536 : vector<1024x128xi1>, vector<1024x128xf32>
    %jit3A_550 = arith.constant 41 : i32
    %broadcast_in_dim3A_551 = vector.broadcast %jit3A_550 : i32 to vector<1024x128xi32>
    %select_n3A_552 = arith.select %lt3A_548, %broadcast_in_dim3A_551, %select_n3A_539 : vector<1024x128xi1>, vector<1024x128xi32>
    %slice3A_553 = vector.extract_strided_slice %dot_general3A_5 {offsets = [0, 5376], sizes = [1024, 128], strides = [1, 1]} : vector<1024x8192xf32> to vector<1024x128xf32>
    %add3A_554 = vector.broadcast %get3A_8 : vector<1024x1xf32> to vector<1024x128xf32>
    %add3A_555 = arith.addf %add3A_554, %slice3A_553 : vector<1024x128xf32>
    %get3A_556 = arith.constant 0 : index
    %get3A_557 = arith.constant 5376 : index
    %get3A_558 = vector.load %arg3[%get3A_556, %get3A_557] : memref<1x8192xf32, #tpu.memory_space<vmem>>, vector<1x128xf32>
    %add3A_559 = vector.broadcast %get3A_558 : vector<1x128xf32> to vector<1024x128xf32>
    %add3A_560 = arith.addf %add3A_555, %add3A_559 : vector<1024x128xf32>
    %lt3A_561 = arith.cmpf olt, %add3A_560, %select_n3A_549 : vector<1024x128xf32>
    %select_n3A_562 = arith.select %lt3A_561, %add3A_560, %select_n3A_549 : vector<1024x128xi1>, vector<1024x128xf32>
    %jit3A_563 = arith.constant 42 : i32
    %broadcast_in_dim3A_564 = vector.broadcast %jit3A_563 : i32 to vector<1024x128xi32>
    %select_n3A_565 = arith.select %lt3A_561, %broadcast_in_dim3A_564, %select_n3A_552 : vector<1024x128xi1>, vector<1024x128xi32>
    %slice3A_566 = vector.extract_strided_slice %dot_general3A_5 {offsets = [0, 5504], sizes = [1024, 128], strides = [1, 1]} : vector<1024x8192xf32> to vector<1024x128xf32>
    %add3A_567 = vector.broadcast %get3A_8 : vector<1024x1xf32> to vector<1024x128xf32>
    %add3A_568 = arith.addf %add3A_567, %slice3A_566 : vector<1024x128xf32>
    %get3A_569 = arith.constant 0 : index
    %get3A_570 = arith.constant 5504 : index
    %get3A_571 = vector.load %arg3[%get3A_569, %get3A_570] : memref<1x8192xf32, #tpu.memory_space<vmem>>, vector<1x128xf32>
    %add3A_572 = vector.broadcast %get3A_571 : vector<1x128xf32> to vector<1024x128xf32>
    %add3A_573 = arith.addf %add3A_568, %add3A_572 : vector<1024x128xf32>
    %lt3A_574 = arith.cmpf olt, %add3A_573, %select_n3A_562 : vector<1024x128xf32>
    %select_n3A_575 = arith.select %lt3A_574, %add3A_573, %select_n3A_562 : vector<1024x128xi1>, vector<1024x128xf32>
    %jit3A_576 = arith.constant 43 : i32
    %broadcast_in_dim3A_577 = vector.broadcast %jit3A_576 : i32 to vector<1024x128xi32>
    %select_n3A_578 = arith.select %lt3A_574, %broadcast_in_dim3A_577, %select_n3A_565 : vector<1024x128xi1>, vector<1024x128xi32>
    %slice3A_579 = vector.extract_strided_slice %dot_general3A_5 {offsets = [0, 5632], sizes = [1024, 128], strides = [1, 1]} : vector<1024x8192xf32> to vector<1024x128xf32>
    %add3A_580 = vector.broadcast %get3A_8 : vector<1024x1xf32> to vector<1024x128xf32>
    %add3A_581 = arith.addf %add3A_580, %slice3A_579 : vector<1024x128xf32>
    %get3A_582 = arith.constant 0 : index
    %get3A_583 = arith.constant 5632 : index
    %get3A_584 = vector.load %arg3[%get3A_582, %get3A_583] : memref<1x8192xf32, #tpu.memory_space<vmem>>, vector<1x128xf32>
    %add3A_585 = vector.broadcast %get3A_584 : vector<1x128xf32> to vector<1024x128xf32>
    %add3A_586 = arith.addf %add3A_581, %add3A_585 : vector<1024x128xf32>
    %lt3A_587 = arith.cmpf olt, %add3A_586, %select_n3A_575 : vector<1024x128xf32>
    %select_n3A_588 = arith.select %lt3A_587, %add3A_586, %select_n3A_575 : vector<1024x128xi1>, vector<1024x128xf32>
    %jit3A_589 = arith.constant 44 : i32
    %broadcast_in_dim3A_590 = vector.broadcast %jit3A_589 : i32 to vector<1024x128xi32>
    %select_n3A_591 = arith.select %lt3A_587, %broadcast_in_dim3A_590, %select_n3A_578 : vector<1024x128xi1>, vector<1024x128xi32>
    %slice3A_592 = vector.extract_strided_slice %dot_general3A_5 {offsets = [0, 5760], sizes = [1024, 128], strides = [1, 1]} : vector<1024x8192xf32> to vector<1024x128xf32>
    %add3A_593 = vector.broadcast %get3A_8 : vector<1024x1xf32> to vector<1024x128xf32>
    %add3A_594 = arith.addf %add3A_593, %slice3A_592 : vector<1024x128xf32>
    %get3A_595 = arith.constant 0 : index
    %get3A_596 = arith.constant 5760 : index
    %get3A_597 = vector.load %arg3[%get3A_595, %get3A_596] : memref<1x8192xf32, #tpu.memory_space<vmem>>, vector<1x128xf32>
    %add3A_598 = vector.broadcast %get3A_597 : vector<1x128xf32> to vector<1024x128xf32>
    %add3A_599 = arith.addf %add3A_594, %add3A_598 : vector<1024x128xf32>
    %lt3A_600 = arith.cmpf olt, %add3A_599, %select_n3A_588 : vector<1024x128xf32>
    %select_n3A_601 = arith.select %lt3A_600, %add3A_599, %select_n3A_588 : vector<1024x128xi1>, vector<1024x128xf32>
    %jit3A_602 = arith.constant 45 : i32
    %broadcast_in_dim3A_603 = vector.broadcast %jit3A_602 : i32 to vector<1024x128xi32>
    %select_n3A_604 = arith.select %lt3A_600, %broadcast_in_dim3A_603, %select_n3A_591 : vector<1024x128xi1>, vector<1024x128xi32>
    %slice3A_605 = vector.extract_strided_slice %dot_general3A_5 {offsets = [0, 5888], sizes = [1024, 128], strides = [1, 1]} : vector<1024x8192xf32> to vector<1024x128xf32>
    %add3A_606 = vector.broadcast %get3A_8 : vector<1024x1xf32> to vector<1024x128xf32>
    %add3A_607 = arith.addf %add3A_606, %slice3A_605 : vector<1024x128xf32>
    %get3A_608 = arith.constant 0 : index
    %get3A_609 = arith.constant 5888 : index
    %get3A_610 = vector.load %arg3[%get3A_608, %get3A_609] : memref<1x8192xf32, #tpu.memory_space<vmem>>, vector<1x128xf32>
    %add3A_611 = vector.broadcast %get3A_610 : vector<1x128xf32> to vector<1024x128xf32>
    %add3A_612 = arith.addf %add3A_607, %add3A_611 : vector<1024x128xf32>
    %lt3A_613 = arith.cmpf olt, %add3A_612, %select_n3A_601 : vector<1024x128xf32>
    %select_n3A_614 = arith.select %lt3A_613, %add3A_612, %select_n3A_601 : vector<1024x128xi1>, vector<1024x128xf32>
    %jit3A_615 = arith.constant 46 : i32
    %broadcast_in_dim3A_616 = vector.broadcast %jit3A_615 : i32 to vector<1024x128xi32>
    %select_n3A_617 = arith.select %lt3A_613, %broadcast_in_dim3A_616, %select_n3A_604 : vector<1024x128xi1>, vector<1024x128xi32>
    %slice3A_618 = vector.extract_strided_slice %dot_general3A_5 {offsets = [0, 6016], sizes = [1024, 128], strides = [1, 1]} : vector<1024x8192xf32> to vector<1024x128xf32>
    %add3A_619 = vector.broadcast %get3A_8 : vector<1024x1xf32> to vector<1024x128xf32>
    %add3A_620 = arith.addf %add3A_619, %slice3A_618 : vector<1024x128xf32>
    %get3A_621 = arith.constant 0 : index
    %get3A_622 = arith.constant 6016 : index
    %get3A_623 = vector.load %arg3[%get3A_621, %get3A_622] : memref<1x8192xf32, #tpu.memory_space<vmem>>, vector<1x128xf32>
    %add3A_624 = vector.broadcast %get3A_623 : vector<1x128xf32> to vector<1024x128xf32>
    %add3A_625 = arith.addf %add3A_620, %add3A_624 : vector<1024x128xf32>
    %lt3A_626 = arith.cmpf olt, %add3A_625, %select_n3A_614 : vector<1024x128xf32>
    %select_n3A_627 = arith.select %lt3A_626, %add3A_625, %select_n3A_614 : vector<1024x128xi1>, vector<1024x128xf32>
    %jit3A_628 = arith.constant 47 : i32
    %broadcast_in_dim3A_629 = vector.broadcast %jit3A_628 : i32 to vector<1024x128xi32>
    %select_n3A_630 = arith.select %lt3A_626, %broadcast_in_dim3A_629, %select_n3A_617 : vector<1024x128xi1>, vector<1024x128xi32>
    %slice3A_631 = vector.extract_strided_slice %dot_general3A_5 {offsets = [0, 6144], sizes = [1024, 128], strides = [1, 1]} : vector<1024x8192xf32> to vector<1024x128xf32>
    %add3A_632 = vector.broadcast %get3A_8 : vector<1024x1xf32> to vector<1024x128xf32>
    %add3A_633 = arith.addf %add3A_632, %slice3A_631 : vector<1024x128xf32>
    %get3A_634 = arith.constant 0 : index
    %get3A_635 = arith.constant 6144 : index
    %get3A_636 = vector.load %arg3[%get3A_634, %get3A_635] : memref<1x8192xf32, #tpu.memory_space<vmem>>, vector<1x128xf32>
    %add3A_637 = vector.broadcast %get3A_636 : vector<1x128xf32> to vector<1024x128xf32>
    %add3A_638 = arith.addf %add3A_633, %add3A_637 : vector<1024x128xf32>
    %lt3A_639 = arith.cmpf olt, %add3A_638, %select_n3A_627 : vector<1024x128xf32>
    %select_n3A_640 = arith.select %lt3A_639, %add3A_638, %select_n3A_627 : vector<1024x128xi1>, vector<1024x128xf32>
    %jit3A_641 = arith.constant 48 : i32
    %broadcast_in_dim3A_642 = vector.broadcast %jit3A_641 : i32 to vector<1024x128xi32>
    %select_n3A_643 = arith.select %lt3A_639, %broadcast_in_dim3A_642, %select_n3A_630 : vector<1024x128xi1>, vector<1024x128xi32>
    %slice3A_644 = vector.extract_strided_slice %dot_general3A_5 {offsets = [0, 6272], sizes = [1024, 128], strides = [1, 1]} : vector<1024x8192xf32> to vector<1024x128xf32>
    %add3A_645 = vector.broadcast %get3A_8 : vector<1024x1xf32> to vector<1024x128xf32>
    %add3A_646 = arith.addf %add3A_645, %slice3A_644 : vector<1024x128xf32>
    %get3A_647 = arith.constant 0 : index
    %get3A_648 = arith.constant 6272 : index
    %get3A_649 = vector.load %arg3[%get3A_647, %get3A_648] : memref<1x8192xf32, #tpu.memory_space<vmem>>, vector<1x128xf32>
    %add3A_650 = vector.broadcast %get3A_649 : vector<1x128xf32> to vector<1024x128xf32>
    %add3A_651 = arith.addf %add3A_646, %add3A_650 : vector<1024x128xf32>
    %lt3A_652 = arith.cmpf olt, %add3A_651, %select_n3A_640 : vector<1024x128xf32>
    %select_n3A_653 = arith.select %lt3A_652, %add3A_651, %select_n3A_640 : vector<1024x128xi1>, vector<1024x128xf32>
    %jit3A_654 = arith.constant 49 : i32
    %broadcast_in_dim3A_655 = vector.broadcast %jit3A_654 : i32 to vector<1024x128xi32>
    %select_n3A_656 = arith.select %lt3A_652, %broadcast_in_dim3A_655, %select_n3A_643 : vector<1024x128xi1>, vector<1024x128xi32>
    %slice3A_657 = vector.extract_strided_slice %dot_general3A_5 {offsets = [0, 6400], sizes = [1024, 128], strides = [1, 1]} : vector<1024x8192xf32> to vector<1024x128xf32>
    %add3A_658 = vector.broadcast %get3A_8 : vector<1024x1xf32> to vector<1024x128xf32>
    %add3A_659 = arith.addf %add3A_658, %slice3A_657 : vector<1024x128xf32>
    %get3A_660 = arith.constant 0 : index
    %get3A_661 = arith.constant 6400 : index
    %get3A_662 = vector.load %arg3[%get3A_660, %get3A_661] : memref<1x8192xf32, #tpu.memory_space<vmem>>, vector<1x128xf32>
    %add3A_663 = vector.broadcast %get3A_662 : vector<1x128xf32> to vector<1024x128xf32>
    %add3A_664 = arith.addf %add3A_659, %add3A_663 : vector<1024x128xf32>
    %lt3A_665 = arith.cmpf olt, %add3A_664, %select_n3A_653 : vector<1024x128xf32>
    %select_n3A_666 = arith.select %lt3A_665, %add3A_664, %select_n3A_653 : vector<1024x128xi1>, vector<1024x128xf32>
    %jit3A_667 = arith.constant 50 : i32
    %broadcast_in_dim3A_668 = vector.broadcast %jit3A_667 : i32 to vector<1024x128xi32>
    %select_n3A_669 = arith.select %lt3A_665, %broadcast_in_dim3A_668, %select_n3A_656 : vector<1024x128xi1>, vector<1024x128xi32>
    %slice3A_670 = vector.extract_strided_slice %dot_general3A_5 {offsets = [0, 6528], sizes = [1024, 128], strides = [1, 1]} : vector<1024x8192xf32> to vector<1024x128xf32>
    %add3A_671 = vector.broadcast %get3A_8 : vector<1024x1xf32> to vector<1024x128xf32>
    %add3A_672 = arith.addf %add3A_671, %slice3A_670 : vector<1024x128xf32>
    %get3A_673 = arith.constant 0 : index
    %get3A_674 = arith.constant 6528 : index
    %get3A_675 = vector.load %arg3[%get3A_673, %get3A_674] : memref<1x8192xf32, #tpu.memory_space<vmem>>, vector<1x128xf32>
    %add3A_676 = vector.broadcast %get3A_675 : vector<1x128xf32> to vector<1024x128xf32>
    %add3A_677 = arith.addf %add3A_672, %add3A_676 : vector<1024x128xf32>
    %lt3A_678 = arith.cmpf olt, %add3A_677, %select_n3A_666 : vector<1024x128xf32>
    %select_n3A_679 = arith.select %lt3A_678, %add3A_677, %select_n3A_666 : vector<1024x128xi1>, vector<1024x128xf32>
    %jit3A_680 = arith.constant 51 : i32
    %broadcast_in_dim3A_681 = vector.broadcast %jit3A_680 : i32 to vector<1024x128xi32>
    %select_n3A_682 = arith.select %lt3A_678, %broadcast_in_dim3A_681, %select_n3A_669 : vector<1024x128xi1>, vector<1024x128xi32>
    %slice3A_683 = vector.extract_strided_slice %dot_general3A_5 {offsets = [0, 6656], sizes = [1024, 128], strides = [1, 1]} : vector<1024x8192xf32> to vector<1024x128xf32>
    %add3A_684 = vector.broadcast %get3A_8 : vector<1024x1xf32> to vector<1024x128xf32>
    %add3A_685 = arith.addf %add3A_684, %slice3A_683 : vector<1024x128xf32>
    %get3A_686 = arith.constant 0 : index
    %get3A_687 = arith.constant 6656 : index
    %get3A_688 = vector.load %arg3[%get3A_686, %get3A_687] : memref<1x8192xf32, #tpu.memory_space<vmem>>, vector<1x128xf32>
    %add3A_689 = vector.broadcast %get3A_688 : vector<1x128xf32> to vector<1024x128xf32>
    %add3A_690 = arith.addf %add3A_685, %add3A_689 : vector<1024x128xf32>
    %lt3A_691 = arith.cmpf olt, %add3A_690, %select_n3A_679 : vector<1024x128xf32>
    %select_n3A_692 = arith.select %lt3A_691, %add3A_690, %select_n3A_679 : vector<1024x128xi1>, vector<1024x128xf32>
    %jit3A_693 = arith.constant 52 : i32
    %broadcast_in_dim3A_694 = vector.broadcast %jit3A_693 : i32 to vector<1024x128xi32>
    %select_n3A_695 = arith.select %lt3A_691, %broadcast_in_dim3A_694, %select_n3A_682 : vector<1024x128xi1>, vector<1024x128xi32>
    %slice3A_696 = vector.extract_strided_slice %dot_general3A_5 {offsets = [0, 6784], sizes = [1024, 128], strides = [1, 1]} : vector<1024x8192xf32> to vector<1024x128xf32>
    %add3A_697 = vector.broadcast %get3A_8 : vector<1024x1xf32> to vector<1024x128xf32>
    %add3A_698 = arith.addf %add3A_697, %slice3A_696 : vector<1024x128xf32>
    %get3A_699 = arith.constant 0 : index
    %get3A_700 = arith.constant 6784 : index
    %get3A_701 = vector.load %arg3[%get3A_699, %get3A_700] : memref<1x8192xf32, #tpu.memory_space<vmem>>, vector<1x128xf32>
    %add3A_702 = vector.broadcast %get3A_701 : vector<1x128xf32> to vector<1024x128xf32>
    %add3A_703 = arith.addf %add3A_698, %add3A_702 : vector<1024x128xf32>
    %lt3A_704 = arith.cmpf olt, %add3A_703, %select_n3A_692 : vector<1024x128xf32>
    %select_n3A_705 = arith.select %lt3A_704, %add3A_703, %select_n3A_692 : vector<1024x128xi1>, vector<1024x128xf32>
    %jit3A_706 = arith.constant 53 : i32
    %broadcast_in_dim3A_707 = vector.broadcast %jit3A_706 : i32 to vector<1024x128xi32>
    %select_n3A_708 = arith.select %lt3A_704, %broadcast_in_dim3A_707, %select_n3A_695 : vector<1024x128xi1>, vector<1024x128xi32>
    %slice3A_709 = vector.extract_strided_slice %dot_general3A_5 {offsets = [0, 6912], sizes = [1024, 128], strides = [1, 1]} : vector<1024x8192xf32> to vector<1024x128xf32>
    %add3A_710 = vector.broadcast %get3A_8 : vector<1024x1xf32> to vector<1024x128xf32>
    %add3A_711 = arith.addf %add3A_710, %slice3A_709 : vector<1024x128xf32>
    %get3A_712 = arith.constant 0 : index
    %get3A_713 = arith.constant 6912 : index
    %get3A_714 = vector.load %arg3[%get3A_712, %get3A_713] : memref<1x8192xf32, #tpu.memory_space<vmem>>, vector<1x128xf32>
    %add3A_715 = vector.broadcast %get3A_714 : vector<1x128xf32> to vector<1024x128xf32>
    %add3A_716 = arith.addf %add3A_711, %add3A_715 : vector<1024x128xf32>
    %lt3A_717 = arith.cmpf olt, %add3A_716, %select_n3A_705 : vector<1024x128xf32>
    %select_n3A_718 = arith.select %lt3A_717, %add3A_716, %select_n3A_705 : vector<1024x128xi1>, vector<1024x128xf32>
    %jit3A_719 = arith.constant 54 : i32
    %broadcast_in_dim3A_720 = vector.broadcast %jit3A_719 : i32 to vector<1024x128xi32>
    %select_n3A_721 = arith.select %lt3A_717, %broadcast_in_dim3A_720, %select_n3A_708 : vector<1024x128xi1>, vector<1024x128xi32>
    %slice3A_722 = vector.extract_strided_slice %dot_general3A_5 {offsets = [0, 7040], sizes = [1024, 128], strides = [1, 1]} : vector<1024x8192xf32> to vector<1024x128xf32>
    %add3A_723 = vector.broadcast %get3A_8 : vector<1024x1xf32> to vector<1024x128xf32>
    %add3A_724 = arith.addf %add3A_723, %slice3A_722 : vector<1024x128xf32>
    %get3A_725 = arith.constant 0 : index
    %get3A_726 = arith.constant 7040 : index
    %get3A_727 = vector.load %arg3[%get3A_725, %get3A_726] : memref<1x8192xf32, #tpu.memory_space<vmem>>, vector<1x128xf32>
    %add3A_728 = vector.broadcast %get3A_727 : vector<1x128xf32> to vector<1024x128xf32>
    %add3A_729 = arith.addf %add3A_724, %add3A_728 : vector<1024x128xf32>
    %lt3A_730 = arith.cmpf olt, %add3A_729, %select_n3A_718 : vector<1024x128xf32>
    %select_n3A_731 = arith.select %lt3A_730, %add3A_729, %select_n3A_718 : vector<1024x128xi1>, vector<1024x128xf32>
    %jit3A_732 = arith.constant 55 : i32
    %broadcast_in_dim3A_733 = vector.broadcast %jit3A_732 : i32 to vector<1024x128xi32>
    %select_n3A_734 = arith.select %lt3A_730, %broadcast_in_dim3A_733, %select_n3A_721 : vector<1024x128xi1>, vector<1024x128xi32>
    %slice3A_735 = vector.extract_strided_slice %dot_general3A_5 {offsets = [0, 7168], sizes = [1024, 128], strides = [1, 1]} : vector<1024x8192xf32> to vector<1024x128xf32>
    %add3A_736 = vector.broadcast %get3A_8 : vector<1024x1xf32> to vector<1024x128xf32>
    %add3A_737 = arith.addf %add3A_736, %slice3A_735 : vector<1024x128xf32>
    %get3A_738 = arith.constant 0 : index
    %get3A_739 = arith.constant 7168 : index
    %get3A_740 = vector.load %arg3[%get3A_738, %get3A_739] : memref<1x8192xf32, #tpu.memory_space<vmem>>, vector<1x128xf32>
    %add3A_741 = vector.broadcast %get3A_740 : vector<1x128xf32> to vector<1024x128xf32>
    %add3A_742 = arith.addf %add3A_737, %add3A_741 : vector<1024x128xf32>
    %lt3A_743 = arith.cmpf olt, %add3A_742, %select_n3A_731 : vector<1024x128xf32>
    %select_n3A_744 = arith.select %lt3A_743, %add3A_742, %select_n3A_731 : vector<1024x128xi1>, vector<1024x128xf32>
    %jit3A_745 = arith.constant 56 : i32
    %broadcast_in_dim3A_746 = vector.broadcast %jit3A_745 : i32 to vector<1024x128xi32>
    %select_n3A_747 = arith.select %lt3A_743, %broadcast_in_dim3A_746, %select_n3A_734 : vector<1024x128xi1>, vector<1024x128xi32>
    %slice3A_748 = vector.extract_strided_slice %dot_general3A_5 {offsets = [0, 7296], sizes = [1024, 128], strides = [1, 1]} : vector<1024x8192xf32> to vector<1024x128xf32>
    %add3A_749 = vector.broadcast %get3A_8 : vector<1024x1xf32> to vector<1024x128xf32>
    %add3A_750 = arith.addf %add3A_749, %slice3A_748 : vector<1024x128xf32>
    %get3A_751 = arith.constant 0 : index
    %get3A_752 = arith.constant 7296 : index
    %get3A_753 = vector.load %arg3[%get3A_751, %get3A_752] : memref<1x8192xf32, #tpu.memory_space<vmem>>, vector<1x128xf32>
    %add3A_754 = vector.broadcast %get3A_753 : vector<1x128xf32> to vector<1024x128xf32>
    %add3A_755 = arith.addf %add3A_750, %add3A_754 : vector<1024x128xf32>
    %lt3A_756 = arith.cmpf olt, %add3A_755, %select_n3A_744 : vector<1024x128xf32>
    %select_n3A_757 = arith.select %lt3A_756, %add3A_755, %select_n3A_744 : vector<1024x128xi1>, vector<1024x128xf32>
    %jit3A_758 = arith.constant 57 : i32
    %broadcast_in_dim3A_759 = vector.broadcast %jit3A_758 : i32 to vector<1024x128xi32>
    %select_n3A_760 = arith.select %lt3A_756, %broadcast_in_dim3A_759, %select_n3A_747 : vector<1024x128xi1>, vector<1024x128xi32>
    %slice3A_761 = vector.extract_strided_slice %dot_general3A_5 {offsets = [0, 7424], sizes = [1024, 128], strides = [1, 1]} : vector<1024x8192xf32> to vector<1024x128xf32>
    %add3A_762 = vector.broadcast %get3A_8 : vector<1024x1xf32> to vector<1024x128xf32>
    %add3A_763 = arith.addf %add3A_762, %slice3A_761 : vector<1024x128xf32>
    %get3A_764 = arith.constant 0 : index
    %get3A_765 = arith.constant 7424 : index
    %get3A_766 = vector.load %arg3[%get3A_764, %get3A_765] : memref<1x8192xf32, #tpu.memory_space<vmem>>, vector<1x128xf32>
    %add3A_767 = vector.broadcast %get3A_766 : vector<1x128xf32> to vector<1024x128xf32>
    %add3A_768 = arith.addf %add3A_763, %add3A_767 : vector<1024x128xf32>
    %lt3A_769 = arith.cmpf olt, %add3A_768, %select_n3A_757 : vector<1024x128xf32>
    %select_n3A_770 = arith.select %lt3A_769, %add3A_768, %select_n3A_757 : vector<1024x128xi1>, vector<1024x128xf32>
    %jit3A_771 = arith.constant 58 : i32
    %broadcast_in_dim3A_772 = vector.broadcast %jit3A_771 : i32 to vector<1024x128xi32>
    %select_n3A_773 = arith.select %lt3A_769, %broadcast_in_dim3A_772, %select_n3A_760 : vector<1024x128xi1>, vector<1024x128xi32>
    %slice3A_774 = vector.extract_strided_slice %dot_general3A_5 {offsets = [0, 7552], sizes = [1024, 128], strides = [1, 1]} : vector<1024x8192xf32> to vector<1024x128xf32>
    %add3A_775 = vector.broadcast %get3A_8 : vector<1024x1xf32> to vector<1024x128xf32>
    %add3A_776 = arith.addf %add3A_775, %slice3A_774 : vector<1024x128xf32>
    %get3A_777 = arith.constant 0 : index
    %get3A_778 = arith.constant 7552 : index
    %get3A_779 = vector.load %arg3[%get3A_777, %get3A_778] : memref<1x8192xf32, #tpu.memory_space<vmem>>, vector<1x128xf32>
    %add3A_780 = vector.broadcast %get3A_779 : vector<1x128xf32> to vector<1024x128xf32>
    %add3A_781 = arith.addf %add3A_776, %add3A_780 : vector<1024x128xf32>
    %lt3A_782 = arith.cmpf olt, %add3A_781, %select_n3A_770 : vector<1024x128xf32>
    %select_n3A_783 = arith.select %lt3A_782, %add3A_781, %select_n3A_770 : vector<1024x128xi1>, vector<1024x128xf32>
    %jit3A_784 = arith.constant 59 : i32
    %broadcast_in_dim3A_785 = vector.broadcast %jit3A_784 : i32 to vector<1024x128xi32>
    %select_n3A_786 = arith.select %lt3A_782, %broadcast_in_dim3A_785, %select_n3A_773 : vector<1024x128xi1>, vector<1024x128xi32>
    %slice3A_787 = vector.extract_strided_slice %dot_general3A_5 {offsets = [0, 7680], sizes = [1024, 128], strides = [1, 1]} : vector<1024x8192xf32> to vector<1024x128xf32>
    %add3A_788 = vector.broadcast %get3A_8 : vector<1024x1xf32> to vector<1024x128xf32>
    %add3A_789 = arith.addf %add3A_788, %slice3A_787 : vector<1024x128xf32>
    %get3A_790 = arith.constant 0 : index
    %get3A_791 = arith.constant 7680 : index
    %get3A_792 = vector.load %arg3[%get3A_790, %get3A_791] : memref<1x8192xf32, #tpu.memory_space<vmem>>, vector<1x128xf32>
    %add3A_793 = vector.broadcast %get3A_792 : vector<1x128xf32> to vector<1024x128xf32>
    %add3A_794 = arith.addf %add3A_789, %add3A_793 : vector<1024x128xf32>
    %lt3A_795 = arith.cmpf olt, %add3A_794, %select_n3A_783 : vector<1024x128xf32>
    %select_n3A_796 = arith.select %lt3A_795, %add3A_794, %select_n3A_783 : vector<1024x128xi1>, vector<1024x128xf32>
    %jit3A_797 = arith.constant 60 : i32
    %broadcast_in_dim3A_798 = vector.broadcast %jit3A_797 : i32 to vector<1024x128xi32>
    %select_n3A_799 = arith.select %lt3A_795, %broadcast_in_dim3A_798, %select_n3A_786 : vector<1024x128xi1>, vector<1024x128xi32>
    %slice3A_800 = vector.extract_strided_slice %dot_general3A_5 {offsets = [0, 7808], sizes = [1024, 128], strides = [1, 1]} : vector<1024x8192xf32> to vector<1024x128xf32>
    %add3A_801 = vector.broadcast %get3A_8 : vector<1024x1xf32> to vector<1024x128xf32>
    %add3A_802 = arith.addf %add3A_801, %slice3A_800 : vector<1024x128xf32>
    %get3A_803 = arith.constant 0 : index
    %get3A_804 = arith.constant 7808 : index
    %get3A_805 = vector.load %arg3[%get3A_803, %get3A_804] : memref<1x8192xf32, #tpu.memory_space<vmem>>, vector<1x128xf32>
    %add3A_806 = vector.broadcast %get3A_805 : vector<1x128xf32> to vector<1024x128xf32>
    %add3A_807 = arith.addf %add3A_802, %add3A_806 : vector<1024x128xf32>
    %lt3A_808 = arith.cmpf olt, %add3A_807, %select_n3A_796 : vector<1024x128xf32>
    %select_n3A_809 = arith.select %lt3A_808, %add3A_807, %select_n3A_796 : vector<1024x128xi1>, vector<1024x128xf32>
    %jit3A_810 = arith.constant 61 : i32
    %broadcast_in_dim3A_811 = vector.broadcast %jit3A_810 : i32 to vector<1024x128xi32>
    %select_n3A_812 = arith.select %lt3A_808, %broadcast_in_dim3A_811, %select_n3A_799 : vector<1024x128xi1>, vector<1024x128xi32>
    %slice3A_813 = vector.extract_strided_slice %dot_general3A_5 {offsets = [0, 7936], sizes = [1024, 128], strides = [1, 1]} : vector<1024x8192xf32> to vector<1024x128xf32>
    %add3A_814 = vector.broadcast %get3A_8 : vector<1024x1xf32> to vector<1024x128xf32>
    %add3A_815 = arith.addf %add3A_814, %slice3A_813 : vector<1024x128xf32>
    %get3A_816 = arith.constant 0 : index
    %get3A_817 = arith.constant 7936 : index
    %get3A_818 = vector.load %arg3[%get3A_816, %get3A_817] : memref<1x8192xf32, #tpu.memory_space<vmem>>, vector<1x128xf32>
    %add3A_819 = vector.broadcast %get3A_818 : vector<1x128xf32> to vector<1024x128xf32>
    %add3A_820 = arith.addf %add3A_815, %add3A_819 : vector<1024x128xf32>
    %lt3A_821 = arith.cmpf olt, %add3A_820, %select_n3A_809 : vector<1024x128xf32>
    %select_n3A_822 = arith.select %lt3A_821, %add3A_820, %select_n3A_809 : vector<1024x128xi1>, vector<1024x128xf32>
    %jit3A_823 = arith.constant 62 : i32
    %broadcast_in_dim3A_824 = vector.broadcast %jit3A_823 : i32 to vector<1024x128xi32>
    %select_n3A_825 = arith.select %lt3A_821, %broadcast_in_dim3A_824, %select_n3A_812 : vector<1024x128xi1>, vector<1024x128xi32>
    %slice3A_826 = vector.extract_strided_slice %dot_general3A_5 {offsets = [0, 8064], sizes = [1024, 128], strides = [1, 1]} : vector<1024x8192xf32> to vector<1024x128xf32>
    %add3A_827 = vector.broadcast %get3A_8 : vector<1024x1xf32> to vector<1024x128xf32>
    %add3A_828 = arith.addf %add3A_827, %slice3A_826 : vector<1024x128xf32>
    %get3A_829 = arith.constant 0 : index
    %get3A_830 = arith.constant 8064 : index
    %get3A_831 = vector.load %arg3[%get3A_829, %get3A_830] : memref<1x8192xf32, #tpu.memory_space<vmem>>, vector<1x128xf32>
    %add3A_832 = vector.broadcast %get3A_831 : vector<1x128xf32> to vector<1024x128xf32>
    %add3A_833 = arith.addf %add3A_828, %add3A_832 : vector<1024x128xf32>
    %lt3A_834 = arith.cmpf olt, %add3A_833, %select_n3A_822 : vector<1024x128xf32>
    %select_n3A_835 = arith.select %lt3A_834, %add3A_833, %select_n3A_822 : vector<1024x128xi1>, vector<1024x128xf32>
    %jit3A_836 = arith.constant 63 : i32
    %broadcast_in_dim3A_837 = vector.broadcast %jit3A_836 : i32 to vector<1024x128xi32>
    %select_n3A_838 = arith.select %lt3A_834, %broadcast_in_dim3A_837, %select_n3A_825 : vector<1024x128xi1>, vector<1024x128xi32>
    %reduce_min3A = arith.constant dense<0x7F800000> : vector<1024xf32>
    %reduce_min3A_839 = vector.multi_reduction <minimumf>, %select_n3A_835, %reduce_min3A [1] : vector<1024x128xf32> to vector<1024xf32>
    %broadcast_in_dim3A_840 = vector.shape_cast %reduce_min3A_839 : vector<1024xf32> to vector<1024x1xf32>
    %mul3A = arith.constant 128 : i32
    %mul3A_841 = vector.broadcast %mul3A : i32 to vector<1024x128xi32>
    %mul3A_842 = arith.muli %select_n3A_838, %mul3A_841 : vector<1024x128xi32>
    %iota3A = tpu.iota {dimensions = array<i32: 1>} : vector<1024x128xi32>
    %add3A_843 = arith.addi %mul3A_842, %iota3A : vector<1024x128xi32>
    %eq3A = vector.broadcast %broadcast_in_dim3A_840 : vector<1024x1xf32> to vector<1024x128xf32>
    %eq3A_844 = arith.cmpf oeq, %select_n3A_835, %eq3A : vector<1024x128xf32>
    %jit3A_845 = arith.constant 8192 : i32
    %broadcast_in_dim3A_846 = vector.broadcast %jit3A_845 : i32 to vector<1024x128xi32>
    %select_n3A_847 = arith.select %eq3A_844, %add3A_843, %broadcast_in_dim3A_846 : vector<1024x128xi1>, vector<1024x128xi32>
    %reduce_min3A_848 = arith.constant dense<2147483647> : vector<1024xi32>
    %reduce_min3A_849 = vector.multi_reduction <minsi>, %select_n3A_847, %reduce_min3A_848 [1] : vector<1024x128xi32> to vector<1024xi32>
    %swap3A = arith.constant 0 : index
    %swap3A_850 = vector.load %arg5[%swap3A] : memref<1024xi32, #tpu.memory_space<vmem>>, vector<1024xi32>
    tpu.vector_store %arg5[%swap3A], %reduce_min3A_849 {strides = array<i32>} : memref<1024xi32, #tpu.memory_space<vmem>>, vector<1024xi32>,
    %max3A = arith.constant 0.000000e+00 : f32
    %max3A_851 = vector.broadcast %max3A : f32 to vector<1024x1xf32>
    %max3A_852 = arith.maximumf %broadcast_in_dim3A_840, %max3A_851 : vector<1024x1xf32>
    %reduce_sum3A = vector.shape_cast %max3A_852 : vector<1024x1xf32> to vector<1x1024x1xf32>
    %reduce_sum3A_853 = arith.constant dense<0.000000e+00> : vector<1xf32>
    %reduce_sum3A_854 = vector.multi_reduction <add>, %reduce_sum3A, %reduce_sum3A_853 [1, 2] : vector<1x1024x1xf32> to vector<1xf32>
    %reduce_sum3A_855 = vector.shape_cast %reduce_sum3A_854 : vector<1xf32> to vector<1x1x1xf32>
    %reduce_sum3A_856 = vector.extract %reduce_sum3A_855[0, 0, 0] : f32 from vector<1x1x1xf32>
    %reshape3A = vector.broadcast %reduce_sum3A_856 : f32 to vector<1x1xf32>
    %eq3A_857 = arith.constant 0 : i32
    %eq3A_858 = arith.cmpi eq, %arg0, %eq3A_857 : i32
    %convert_element_type3A = arith.extui %eq3A_858 : i1 to i32
    %cond3A = arith.constant 0 : i32
    %cond3A_859 = arith.cmpi ne, %convert_element_type3A, %cond3A : i32
    scf.if %cond3A_859 {
      %broadcast_in_dim3A_867 = arith.constant 0.000000e+00 : f32
      %broadcast_in_dim3A_868 = vector.broadcast %broadcast_in_dim3A_867 : f32 to vector<1x1xf32>
      %swap3A_869 = arith.constant 0 : index
      %swap3A_870 = arith.constant 0 : index
      %swap3A_871 = vector.load %arg6[%swap3A_869, %swap3A_870] : memref<1x1xf32, #tpu.memory_space<vmem>>, vector<1x1xf32>
      tpu.vector_store %arg6[%swap3A_869, %swap3A_870], %broadcast_in_dim3A_868 {strides = array<i32>} : memref<1x1xf32, #tpu.memory_space<vmem>>, vector<1x1xf32>,
    } else {
    }
    %get3A_860 = arith.constant 0 : index
    %get3A_861 = arith.constant 0 : index
    %get3A_862 = vector.load %arg6[%get3A_860, %get3A_861] : memref<1x1xf32, #tpu.memory_space<vmem>>, vector<1x1xf32>
    %add3A_863 = arith.addf %get3A_862, %reshape3A : vector<1x1xf32>
    %swap3A_864 = arith.constant 0 : index
    %swap3A_865 = arith.constant 0 : index
    %swap3A_866 = vector.load %arg6[%swap3A_864, %swap3A_865] : memref<1x1xf32, #tpu.memory_space<vmem>>, vector<1x1xf32>
    tpu.vector_store %arg6[%swap3A_864, %swap3A_865], %add3A_863 {strides = array<i32>} : memref<1x1xf32, #tpu.memory_space<vmem>>, vector<1x1xf32>,
    return
  }
  func.func @transform_0(%arg0: i32) -> (i32, i32) {
    %c0_i32 = arith.constant 0 : i32
    %c0_i32_0 = arith.constant 0 : i32
    return %arg0, %c0_i32 : i32, i32
  }
  func.func @transform_1(%arg0: i32) -> (i32, i32) {
    %c0_i32 = arith.constant 0 : i32
    %c0_i32_0 = arith.constant 0 : i32
    return %arg0, %c0_i32 : i32, i32
  }
  func.func @transform_2(%arg0: i32) -> (i32, i32) {
    %c0_i32 = arith.constant 0 : i32
    %c0_i32_0 = arith.constant 0 : i32
    %c0_i32_1 = arith.constant 0 : i32
    return %c0_i32, %c0_i32_0 : i32, i32
  }
  func.func @transform_3(%arg0: i32) -> (i32, i32) {
    %c0_i32 = arith.constant 0 : i32
    %c0_i32_0 = arith.constant 0 : i32
    %c0_i32_1 = arith.constant 0 : i32
    return %c0_i32, %c0_i32_0 : i32, i32
  }
  func.func @transform_4(%arg0: i32) -> i32 {
    %c0_i32 = arith.constant 0 : i32
    return %arg0 : i32
  }
  func.func @transform_5(%arg0: i32) -> (i32, i32) {
    %c0_i32 = arith.constant 0 : i32
    %c0_i32_0 = arith.constant 0 : i32
    %c0_i32_1 = arith.constant 0 : i32
    return %c0_i32, %c0_i32_0 : i32, i32
  }
}

</mosaic_0001>

<sc_bundles>
// kernel: kernel.5.cloned.1.call-start
scs
__scs_entry_jumppad:
0x0: {  	(pc) =	sbr.rel $0x88, $3  }
0x1: {  	(tag) =	ssettag $0x0;
	lr =	simm.s32 $0x1  }
0x2: {  	[smem:$0x3F9E] =	sst lr;
	_ =	strace $0xD0000000  }
0x3: {  	_ = 	snop  }
0x4: {  	_ = 	snop  }
0x5: {  	_ = 	snop  }
0x6: {  	_ = 	snop  }
0x7: {  	_ = 	snop  }
__scs_overlays_trampoline_lowered:
0x8: {  	[smem:$0x3FAD] =	sst s0  }
0x9: {  	[smem:$0x3FAE] =	sst s1  }
0xa: {  	[smem:$0x3FAF] =	sst s2  }
0xb: {  	[smem:$0x3FB0] =	sst s3  }
0xc: {  	[smem:$0x3FB1] =	sst s4  }
0xd: {  	[smem:$0x3FB2] =	sst s5  }
0xe: {  	[smem:$0x3FB3] =	sst s6  }
0xf: {  	[smem:$0x3FB4] =	sst s7  }
0x10: {  	[smem:$0x3FB5] =	sst s8  }
0x11: {  	[smem:$0x3FB6] =	sst s9;
	s0 =	simm.s32 @!p0 $0x0  }
0x12: {  	s1 =	sld [smem:$0x3F9C];
	s0 =	simm.s32 @p0 $0x1  }
0x13: {  	[smem:$0x3FB7] =	sst s0;
	s0 =	simm.s32 @!p1 $0x0  }
0x14: {  	s2 =	sld [smem:$0x3F9B];
	s0 =	simm.s32 @p1 $0x1  }
0x15: {  	[smem:$0x3FB8] =	sst s0;
	s0 =	simm.s32 @!p2 $0x0  }
0x16: {  	s3 =	sld [smem:$0x3FDB];
	s0 =	simm.s32 @p2 $0x1  }
0x17: {  	s4 =	simm.s32 $0x1BF5;
	[smem:$0x3FBA] =	sst s0  }
0x18: {  	s0 =	sld [smem:$0x3F9D];
	_ =	swait.ge [sflag:s4], $0x0  }
0x19: {  	s7 =	sld [smem:$0x3F9E]  }
0x1a: {  	s8 =	sadd.s32 $0xFFFFE003, lr  }
0x1b: {  	s9 =	sadd.s32 $0xFFFFFEF7, lr;
	s5 =	simm.s32 $0xFFFFFFFF;
	p2 =	slt.u32 s8, $0xFFFFF086  }
0x1c: {  	p1 =	slt.u32 s9, $0xF7A;
	s5 =	simm.s32 @!p2 $0x0  }
0x1d: {  	s5 =	simm.s32 @p1 $0x1;
	p0 =	seq.s32 s7, s2  }
0x1e: {  	s7 =	smul.u32 @!p0 $0xF7A, s2;
	p2 =	seq.s32 @!p0 s5, $0x0  }
0x1f: {  	s9 =	smul.u32 $0xF7A, s1;
	s8 =	simm.s32 @!p0 $0x1BF5;
	p2 =	por !p2, p0  }
0x20: {  	[sflag:s8] =	ssyncset.s32 @!p0 $0xFFFFF086;
	s6 =	sadd.s32 @!p0 s3, s7;
	s7 =	simm.s32 @!p0 $0x108  }
0x21: {  	s3 =	sadd.s32 s3, s9;
	s6 =	sadd.s32 @!p0 $0x88, s6;
	s7 =	simm.s32 @p2 $0x1082  }
0x22: {  	[simem:s7], [sflag:s8] =	dma.local @!p0 [hbm:s6], $0xF7A  }
0x23: {  	s9 =	sor.u32 $0xD0000000, s2;
	s6 =	simm.s32 $0x108;
	_ =	swait.ge @!p0 [sflag:s8], $0x0  }
0x24: {  	s3 =	sadd.s32 $0x88, s3;
	s6 =	simm.s32 @!p1 $0x1082;
	[sflag:s4] =	ssyncset.s32 $0xFFFFF086  }
0x25: {  	[simem:s6], [sflag:s4] =	dma.local [hbm:s3], $0xF7A  }
0x26: {  	[smem:$0x3F9E] =	sst s1;
	(tag) =	ssettag s2;
	_ =	strace s9  }
0x27: {  	s1 =	sld [smem:$0x3FAE]  }
0x28: {  	s2 =	sld [smem:$0x3FAF]  }
0x29: {  	s4 =	sld [smem:$0x3FB1]  }
0x2a: {  	p0 =	seq.s32 s5, $0x0;
	s5 =	sld [smem:$0x3FB2]  }
0x2b: {  	s6 =	sld [smem:$0x3FB3]  }
0x2c: {  	s7 =	sld [smem:$0x3FB4]  }
0x2d: {  	s3 =	simm.s32 $0x108;
	s8 =	sld [smem:$0x3FB5]  }
0x2e: {  	s3 =	simm.s32 @!p0 $0x1082;
	s9 =	sld [smem:$0x3FB6]  }
0x2f: {  	lr =	sadd.s32 s0, s3;
	s0 =	sld [smem:$0x3FAD]  }
0x30: {  	s3 =	sld [smem:$0x3FB0]  }
0x31: {  	[smem:$0x3FB9] =	sst s10  }
0x32: {  	s10 =	sld [smem:$0x3FB7];
	_ =	sdelay $0x3  }
0x33: {  	p0 =	seq.s32 s10, $0x1;
	s10 =	sld [smem:$0x3FB9];
	_ =	sdelay $0x3  }
0x34: {  	[smem:$0x3FB9] =	sst s10  }
0x35: {  	s10 =	sld [smem:$0x3FB8];
	_ =	sdelay $0x3  }
0x36: {  	p1 =	seq.s32 s10, $0x1;
	s10 =	sld [smem:$0x3FB9];
	_ =	sdelay $0x3  }
0x37: {  	[smem:$0x3FB9] =	sst s10  }
0x38: {  	s10 =	sld [smem:$0x3FBA]  }
0x39: {  	_ = 	snop;
	(pc) =	sbr.ind lr, $3  }
0x3a: {  	_ = 	snop  }
0x3b: {  	_ = 	snop  }
0x3c: {  	p2 =	seq.s32 s10, $0x1;
	s10 =	sld [smem:$0x3FB9]  }
0x3d: {  	_ =	shalt  }
0x3e: {  	_ =	shalt  }
0x3f: {  	_ =	shalt  }
0x40: {  	_ =	shalt  }
0x41: {  	_ =	shalt  }
0x42: {  	_ =	shalt  }
0x43: {  	_ =	shalt  }
0x44: {  	_ =	shalt  }
0x45: {  	_ =	shalt  }
0x46: {  	_ =	shalt  }
0x47: {  	_ =	shalt  }
0x48: {  	_ =	shalt  }
0x49: {  	_ =	shalt  }
0x4a: {  	_ =	shalt  }
0x4b: {  	_ =	shalt  }
0x4c: {  	_ =	shalt  }
0x4d: {  	_ =	shalt  }
0x4e: {  	_ =	shalt  }
0x4f: {  	_ =	shalt  }
0x50: {  	_ =	shalt  }
0x51: {  	_ =	shalt  }
0x52: {  	_ =	shalt  }
0x53: {  	_ =	shalt  }
0x54: {  	_ =	shalt  }
0x55: {  	_ =	shalt  }
0x56: {  	_ =	shalt  }
0x57: {  	_ =	shalt  }
0x58: {  	_ =	shalt  }
0x59: {  	_ =	shalt  }
0x5a: {  	_ =	shalt  }
0x5b: {  	_ =	shalt  }
0x5c: {  	_ =	shalt  }
0x5d: {  	_ =	shalt  }
0x5e: {  	_ =	shalt  }
0x5f: {  	_ =	shalt  }
0x60: {  	_ =	shalt  }
0x61: {  	_ =	shalt  }
0x62: {  	_ =	shalt  }
0x63: {  	_ =	shalt  }
0x64: {  	_ =	shalt  }
0x65: {  	_ =	shalt  }
0x66: {  	_ =	shalt  }
0x67: {  	_ =	shalt  }
0x68: {  	_ =	shalt  }
0x69: {  	_ =	shalt  }
0x6a: {  	_ =	shalt  }
0x6b: {  	_ =	shalt  }
0x6c: {  	_ =	shalt  }
0x6d: {  	_ =	shalt  }
0x6e: {  	_ =	shalt  }
0x6f: {  	_ =	shalt  }
0x70: {  	_ =	shalt  }
0x71: {  	_ =	shalt  }
0x72: {  	_ =	shalt  }
0x73: {  	_ =	shalt  }
0x74: {  	_ =	shalt  }
0x75: {  	_ =	shalt  }
0x76: {  	_ =	shalt  }
0x77: {  	_ =	shalt  }
0x78: {  	_ =	shalt  }
0x79: {  	_ =	shalt  }
0x7a: {  	_ =	shalt  }
0x7b: {  	_ =	shalt  }
0x7c: {  	_ =	shalt  }
0x7d: {  	_ =	shalt  }
0x7e: {  	_ =	shalt  }
0x7f: {  	_ =	shalt  }
0x80: {  	_ =	shalt  }
0x81: {  	_ =	shalt  }
0x82: {  	_ =	shalt  }
0x83: {  	_ =	shalt  }
0x84: {  	_ =	shalt  }
0x85: {  	_ =	shalt  }
0x86: {  	_ =	shalt  }
0x87: {  	_ =	shalt  }
.Lfunc_end0:
.L_simem_size_0:
called_computation_lowered:
.L_overlay_start_0:
0x88: {  	s2 =	sld [smem:$0x3FD9]  }
0x89: {  	s3 =	sld [smem:$0x3FFE];
	_ =	sdelay $0x1  }
0x8a: {  	s1 =	srdreg.scid  }
0x8b: {  	s0 =	sand.u32 $0x1, s1  }
0x8c: {  	s14 =	sshll.u32 s0, $0xA;
	s2 =	sadd.s32 s3, s2  }
0x8d: {  	s2 =	sadd.s32 s2, s14  }
0x8e: {  	[smem:$0x3FC5] =	sst s2  }
0x8f: {  	_ = 	snop  }
0x90: {  	s2 =	sld [smem:$0x3FD0];
	_ =	sdelay $0x2  }
0x91: {  	s15 =	simm.s32 $0xA;
	s4 =	simm.s32 $0x10  }
0x92: {  	[smem:s4], [sflag:s15] =	dma.local [hbm:s2], $0x1  }
0x93: {  	_ =	swait.eq [sflag:s15], $0x1  }
0x94: {  	[sflag:s15] =	ssyncset.done $0x0  }
0x95: {  	[sflag:s15] =	ssyncadd.s32 $0xFFFFFFFF  }
0x96: {  	s16 =	sld [smem:$0x10];
	(tm) =	ssettm $0x1  }
0x97: {  	s17 =	sld [smem:$0x3FFB];
	_ =	sdelay $0x3  }
0x98: {  	_ =	strace s17  }
0x99: {  	s3 =	sld [smem:$0x3FFC];
	_ =	sdelay $0x3  }
0x9a: {  	_ =	strace s3  }
0x9b: {  	s3 =	sld [smem:$0x3FFD];
	_ =	sdelay $0x3  }
0x9c: {  	_ =	strace s3  }
0x9d: {  	_ =	strace $0x8FFFFFFF  }
0x9e: {  	s18 =	sld [smem:$0x3FDB];
	_ =	sdelay $0x1  }
0x9f: {  	s19 =	simm.s32 $_scs_section_size  }
0xa0: {  	s5 =	simm.s32 $_size__tile_overlayer_lowered;
	s6 =	simm.s32 $_tile_overlayer_lowered  }
0xa1: {  	s22 =	simm.s32 $0x1BFF;
	s21 =	sshll.u32 s6, $0x1;
	s3 =	sadd.s32 s19, s18  }
0xa2: {  	s7 =	simm.s32 $0x0;
	s20 =	sshll.u32 s5, $0x1;
	s5 =	sadd.s32 s21, s3  }
0xa3: {  	[timem:s7], [sflag:s22] =	dma.local [hbm:s5], s20  }
0xa4: {  	_ =	swait.ge [sflag:s22], s20  }
0xa5: {  	s4 =	ssub.s32 $0x0, s20;
	[sflag:s22] =	ssyncset.done $0x0  }
0xa6: {  	[sflag:s22] =	ssyncadd.s32 s4;
	_ =	sdelay $0x1  }
0xa7: {  	s23 =	simm.s32 $0x1B8B  }
0xa8: {  	_ =	swait.ge [sflag:s23], $0x1  }
0xa9: {  	[sflag:s23] =	ssyncset.done $0x0  }
0xaa: {  	s25 =	simm.s32 $0x1B8E;
	s24 =	sld [smem:$0x3FFE];
	[sflag:s23] =	ssyncadd.s32 $0xFFFFFFFF  }
0xab: {  	s26 =	simm.s32 $execute0_lowered;
	[smem:$0x3FD2] =	sst s25  }
0xac: {  	s5 =	sshll.u32 s26, $0x1;
	_ =	strace $0x80000046;
	[dreg:$0x1] =	wrdreg $0xFFFFFFFF  }
0xad: {  	s28 =	simm.s32 $_size_execute0_lowered;
	s3 =	sadd.s32 s3, s5;
	[dreg:$0x0] =	wrdreg $0x0  }
0xae: {  	s5 =	sshll.u32 s28, $0x1;
	[dreg:$0x2] =	wrdreg s3  }
0xaf: {  	[dreg:$0x3] =	wrdreg s5  }
0xb0: {  	[dreg:$0x4] =	wrdreg $0xC0  }
0xb1: {  	_ =	task [dreg:s7], $0x5FFFF  }
0xb2: {  	[dreg:$0x1] =	wrdreg $0xFFFFFFFF  }
0xb3: {  	[dreg:$0x0] =	wrdreg $0x60  }
0xb4: {  	[dreg:$0x2] =	wrdreg s16  }
0xb5: {  	[dreg:$0x3] =	wrdreg s24  }
0xb6: {  	[dreg:$0x4] =	wrdreg $0x9  }
0xb7: {  	_ =	task.clear_ibuf [dreg:s7], $0x5FFFF;
	_ =	strace $0x90000046  }
0xb8: {  	s29 =	simm.s32 $0x9;
	_ =	strace $0x80000048  }
0xb9: {  	_ =	swait.ge [sflag:s29], $0x1  }
0xba: {  	[sflag:s29] =	ssyncadd.s32 $0xFFFFFFFF  }
0xbb: {  	_ =	strace $0x90000048  }
0xbc: {  	_ =	sfence  }
0xbd: {  	s30 =	sld [smem:$0x0];
	_ =	sdelay $0x2  }
0xbe: {  	s31 =	sshll.u32 s1, $0xD;
	s1 =	sshrl.u32 s1, $0x2  }
0xbf: {  	s3 =	sand.u32 $0x4000, s31;
	s1 =	sadd.s32 s1, s30  }
0xc0: {  	s0 =	sor.u32 s3, s0;
	s1 =	sshll.u32 s1, $0x11  }
0xc1: {  	s0 =	sor.u32 s1, s0  }
0xc2: {  	s0 =	sadd.s32 $0x8F2B, s0  }
0xc3: {  	[sflag:s0] =	ssyncadd.remote.s32 $0x1  }
0xc4: {  	_ =	sfence.sel $0xFFFF  }
0xc5: {  	[dreg:$0x0] =	wrdreg $0xFFFFFFFF;
	(pc) =	sbr.abs _section_cstart, $3  }
0xc6: {  	[dreg:$0x1] =	wrdreg $0xFFFFFFFF  }
0xc7: {  	_ =	task.clear_ibuf [dreg:s7], $0x2FFFF;
	_ =	strace $0x9FFFFFFF  }
0xc8: {  	(tm) =	ssettm $0x7FFFFFFF  }
0xc9: {  	_ =	shalt  }
tec
execute0_lowered:
.L_overlay_start_1:
0x0: {  	(tag) =	ssettag $0x1  }
0x1: {  	s2 =	rddreg [dreg:$0x0];
	s1 =	srdreg.scid  }
0x2: {  	s0 =	stileid.u32;
	s6 =	rddreg [dreg:$0x1];
	s3 =	simm.s32 $0x0  }
0x3: {  	s7 =	sand.u32 $0x1, s1;
	s4 =	sshll.u32 s0, $0x1;
	s1 =	rddreg [dreg:$0x2]  }
0x4: {  	[smem:$0x7FF] =	sst s3;
	s8 =	sor.u32 s7, s4  }
0x5: {  	s5 =	sshll.u32 s0, $0xB;
	_ =	strace $0x80000047;
	s4 =	sshll.u32 s8, $0x5  }
0x6: {  	s9 =	sand.u32 $0x7000, s5;
	s10 =	ssub.s32 $0x2, s7;
	s4 =	sadd.s32 s4, s6  }
0x7: {  	s7 =	simm.s32 $0x1;
	s5 =	sadd.s32 $0x600, s4;
	s4 =	simm.s32 $0x2  }
0x8: {  	[tilespmem:s3], [sflag:$0x2] =	stream.linear.gather [hbm4b:s5+s3], $0x100, $0x38;
	[tilespmem:$0x2100] =	vst v63  }
0x9: {  	s9 =	sadd.s32 s9, s6;
	s11 =	sshrl.u32 s10, $0x1;
	_ =	swait.ge [sflag:s4], $0x100  }
0xa: {  	s8 =	sshll.u32 s8, $0xA;
	s10 =	ssub.s32 s10, s11;
	[sflag:s4] =	ssyncset.done $0x0  }
0xb: {  	s6 =	simm.s32 $0x100;
	s31 =	smax.u32 s10, $0x1;
	[sflag:s4] =	ssyncadd.s32 $0xFFFFFF00  }
0xc: {  	[tilespmem:s6], [sflag:$0x1] =	stream.indirect.gather [hbm4b:s2+s6], $0x20, s3, s6, $0xb8;
	[tilespmem:$0x2100] =	vst v63  }
0xd: {  	s8 =	sand.u32 $0xC00, s8;
	p0 =	sne.s32 s31, $0x1;
	_ =	swait.ge [sflag:s7], $0x2000  }
.Ltmp0:
0xe: {  	s8 =	sadd.s32 s8, s9;
	[sflag:s7] =	ssyncset.done $0x0;
	(pc) =	sbr.rel @!p0 .LBB2_2-.Ltmp0, $4  }
0xf: {  	s8 =	sadd.s32 $0xA00, s8;
	[sflag:s7] =	ssyncadd.s32 $0xFFFFE000  }
0x10: {  	[hbm4b:s8+s3] =	stream.linear.scatter [tilespmem:s6], [sflag:$0x2], $0x2000, $0x38;
	[tilespmem:$0x2100] =	vst v63  }
0x11: {  	_ =	swait.ge [sflag:s4], $0x2000  }
0x12: {  	s9 =	sadd.s32 $0xFFFFFFFF, s31;
	[sflag:s4] =	ssyncset.done $0x0  }
.LBB2_1:
0x13: {  	p0 =	sne.s32 s9, $0x1;
	s9 =	sadd.s32 $0xFFFFFFFF, s9;
	[sflag:s4] =	ssyncadd.s32 $0xFFFFE000  }
0x14: {  	[tilespmem:s3], [sflag:$0x2] =	stream.linear.gather [hbm4b:s5+s3], $0x100, $0x38;
	[tilespmem:$0x2100] =	vst v63  }
0x15: {  	_ =	swait.ge [sflag:s4], $0x100  }
0x16: {  	[sflag:s4] =	ssyncset.done $0x0  }
0x17: {  	[sflag:s4] =	ssyncadd.s32 $0xFFFFFF00  }
0x18: {  	[tilespmem:s6], [sflag:$0x1] =	stream.indirect.gather [hbm4b:s2+s6], $0x20, s3, s6, $0xb8;
	[tilespmem:$0x2100] =	vst v63  }
0x19: {  	_ =	swait.ge [sflag:s7], $0x2000  }
.Ltmp1:
0x1a: {  	[sflag:s7] =	ssyncset.done $0x0;
	(pc) =	sbr.rel @p0 .LBB2_1-.Ltmp1, $4  }
0x1b: {  	[sflag:s7] =	ssyncadd.s32 $0xFFFFE000  }
0x1c: {  	[hbm4b:s8+s3] =	stream.linear.scatter [tilespmem:s6], [sflag:$0x2], $0x2000, $0x38;
	[tilespmem:$0x2100] =	vst v63  }
0x1d: {  	_ =	swait.ge [sflag:s4], $0x2000  }
0x1e: {  	[sflag:s4] =	ssyncset.done $0x0  }
.LBB2_2:
0x1f: {  	[sflag:s4] =	ssyncadd.s32 $0xFFFFE000  }
0x20: {  	_ =	sfence.sel $0x180000  }
0x21: {  	[bflag:$0x0] =	sbarrier.arrive $0xFFFF  }
0x22: {  	p0 =	sne.s32 s0, $0x0;
	_ =	strace $0x90000047  }
0x23: {  	s0 =	sadd.s32 @!p0 $0x100000, s1;
	[bflag:$0x2] =	sbarrier.arrive $0xFFFF  }
0x24: {  	[sflag:s0] =	ssyncadd.tile.s32 @!p0 $0x1;
	_ =	shalt  }
.Lfunc_end2:
_tile_overlayer_lowered:
.L_overlay_start_2:
0x25: {  	(tag) =	ssettag $0x2  }
0x26: {  	s0 =	rddreg [dreg:$0x0];
	s2 =	stileid.u32  }
0x27: {  	s1 =	rddreg [dreg:$0x1];
	p0 =	sne.s32 s2, $0x0  }
0x28: {  	s3 =	rddreg [dreg:$0x2];
	[bflag:$0x3] =	sbarrier.arrive $0xFFFF;
	s2 =	simm.s32 @!p0 $0x1C02  }
0x29: {  	[timem:s3], [sflag:s2] =	dma.local @!p0 [hbm:s0], s1  }
0x2a: {  	s0 =	simm.s32 @!p0 $0x2  }
0x2b: {  	_ =	swait.ge @!p0 [sflag:s0], s1  }
0x2c: {  	s1 =	ssub.s32 @!p0 $0x0, s1;
	[sflag:s0] =	ssyncset.done @!p0 $0x0  }
0x2d: {  	[sflag:s0] =	ssyncadd.s32 @!p0 s1  }
0x2e: {  	[bflag:$0x3] =	sbarrier.arrive $0xFFFF  }
0x2f: {  	_ =	shalt  }

</sc_bundles>
